<compile_context>
chip_gen: v7x
topology: tpu7x:2x2x1
jax: 0.10.2.dev20260603
libtpu: 0.0.44.dev20260713+nightly
codegen_flags: <defaults>
</compile_context>

<pallas_src>
import functools
import jax
import jax.numpy as jnp
from jax import lax
from jax.experimental import pallas as pl
from jax.experimental.pallas import tpu as pltpu
from jax.experimental.pallas import tpu_sc as plsc

_ANCHORS = (1.08, 1.19, 3.42, 4.41, 6.63, 11.38, 9.42, 5.11, 16.62, 10.52)
_NA = 5
_NC = 8
_NH = 32
_NW = 32
_NT = 50
_OBJ = 10.0
_THRESH = 0.6
_CHUNK = 10
_NCH = 7 + _NC
_ROWS = _NT * _NCH
_RPAD = 768

_EMULATE_SC = False


def _anchor_match(gw, gl, aw, al):
    inter_a = (jnp.minimum(aw, gw[..., None, :])
               * jnp.minimum(al, gl[..., None, :]))
    union_a = (aw * al) + (gw * gl)[..., None, :] - inter_a
    iou_a = inter_a / union_a
    best = jnp.max(iou_a, axis=-2)
    a_iota = lax.broadcasted_iota(jnp.int32, iou_a.shape, iou_a.ndim - 2)
    bn = jnp.min(jnp.where(iou_a == best[..., None, :], a_iota, _NA + 1),
                 axis=-2)
    return bn, best


def _idx_body(t_ref, a_ref, s_ref, off_ref, out_ref):
    aw = a_ref[0][None, :, None]
    al = a_ref[1][None, :, None]
    gx = t_ref[:, 1, :] * _NW
    gy = t_ref[:, 2, :] * _NH
    gw = t_ref[:, 3, :] * _NW
    gl = t_ref[:, 4, :] * _NH
    bn, _ = _anchor_match(gw, gl, aw, al)
    gi = gx.astype(jnp.int32)
    gj = gy.astype(jnp.int32)
    cellp = gj * _NW + gi
    base = (bn * (_NCH * _NH * _NW) + cellp).astype(jnp.float32)
    idx_f = lax.dot_general(base, s_ref[...], (((1,), (0,)), ((), ())),
                            precision=lax.Precision.HIGHEST)
    out_ref[...] = (idx_f + off_ref[0][None, :] + 0.5).astype(jnp.int32)


def _gather_body(o_hbm, idx_hbm, out_hbm, blk_v, idx_v, out_v, sem):
    wid = lax.axis_index("s") * 2 + lax.axis_index("c")
    h = pltpu.async_copy(o_hbm.at[wid], blk_v, sem)
    pltpu.sync_copy(idx_hbm.at[wid], idx_v)
    h.wait()
    for k in range(_RPAD // 16):
        iv = idx_v[pl.ds(k * 16, 16)]
        out_v[pl.ds(k * 16, 16)] = plsc.load_gather(blk_v, [iv])
    pltpu.sync_copy(out_v, out_hbm.at[wid, 0])


def _dense_body(o_ref, t_ref, a_ref, out_ref):
    f32 = jnp.float32
    i32 = jnp.int32
    o = o_ref[0]
    tgt = t_ref[0]
    aw = a_ref[0]
    al = a_ref[1]

    o3 = o.reshape(_NA, _NCH, _NH * _NW)
    xs = jax.nn.sigmoid(o3[:, 0, :])
    ys = jax.nn.sigmoid(o3[:, 1, :])
    confs = jax.nn.sigmoid(o3[:, 6, :])
    p = lax.broadcasted_iota(i32, (_NA, _NH * _NW), 1)
    grid_x = (p & (_NW - 1)).astype(f32)
    grid_y = (p >> 5).astype(f32)
    px = xs + grid_x
    py = ys + grid_y
    pw = jnp.exp(o3[:, 2, :]) * aw[:, None]
    plh = jnp.exp(o3[:, 3, :]) * al[:, None]
    xl = px - pw * 0.5
    xr = px + pw * 0.5
    yl = py - plh * 0.5
    yr = py + plh * 0.5
    parea = pw * plh

    gx = tgt[1] * _NW
    gy = tgt[2] * _NH
    gw = tgt[3] * _NW
    gl = tgt[4] * _NH
    gxl = gx - gw * 0.5
    gxr = gx + gw * 0.5
    gyl = gy - gl * 0.5
    gyr = gy + gl * 0.5
    garea = gw * gl

    tt = lax.broadcasted_iota(i32, (_NT, _NT), 0)
    ss = lax.broadcasted_iota(i32, (_NT, _NT), 1)
    zero_seen = jnp.any((ss <= tt) & (tgt[1] == 0.0)[None, :], axis=1)
    valid = jnp.logical_not(zero_seen)

    c_t = _THRESH / (1.0 + _THRESH)
    cga = jnp.where(valid, c_t * garea, 1.0e30)
    m = jnp.full((_NA, _NH * _NW), -1.0e30, f32)
    for c0 in range(0, _NT, _CHUNK):
        sl = slice(c0, c0 + _CHUNK)
        cw = (jnp.minimum(xr[None], gxr[sl, None, None])
              - jnp.maximum(xl[None], gxl[sl, None, None]))
        ch = (jnp.minimum(yr[None], gyr[sl, None, None])
              - jnp.maximum(yl[None], gyl[sl, None, None]))
        inter = jnp.maximum(cw, 0.0) * jnp.maximum(ch, 0.0)
        m = jnp.maximum(m, jnp.max(inter - cga[sl, None, None], axis=0))
    noobj = (m <= c_t * parea).astype(f32)
    out_ref[:, :, :] = (0.5 * jnp.sum(confs * confs * noobj))[None, None, None]


def _corr_body(g_ref, t_ref, a_ref, out_ref):
    f32 = jnp.float32
    i32 = jnp.int32
    g = g_ref[0, 0]
    tgt = t_ref[0]
    aw = a_ref[0]
    al = a_ref[1]

    gx = tgt[1] * _NW
    gy = tgt[2] * _NH
    gw = tgt[3] * _NW
    gl = tgt[4] * _NH
    gxl = gx - gw * 0.5
    gxr = gx + gw * 0.5
    gyl = gy - gl * 0.5
    gyr = gy + gl * 0.5
    garea = gw * gl

    tt = lax.broadcasted_iota(i32, (_NT, _NT), 0)
    ss = lax.broadcasted_iota(i32, (_NT, _NT), 1)
    zero_seen = jnp.any((ss <= tt) & (tgt[1] == 0.0)[None, :], axis=1)
    valid = jnp.logical_not(zero_seen)

    bn, best = _anchor_match(gw, gl, aw[:, None], al[:, None])
    do = valid & (best > 0.0)
    gi = gx.astype(i32)
    gj = gy.astype(i32)
    cellp = gj * _NW + gi
    slot = bn * (_NH * _NW) + cellp
    later = ss > tt
    same = slot[None, :] == slot[:, None]
    clobbered = jnp.any(later & same & do[None, :], axis=1)
    win = do & jnp.logical_not(clobbered)

    def vch(c):
        return g[c * _NT:(c + 1) * _NT]
    xg = jax.nn.sigmoid(vch(0))
    yg = jax.nn.sigmoid(vch(1))
    wg = vch(2)
    lg = vch(3)
    img = vch(4)
    reg = vch(5)
    cg = jax.nn.sigmoid(vch(6))
    cls_g = jnp.concatenate([vch(7 + c)[None] for c in range(_NC)], axis=0)

    a_iota = lax.broadcasted_iota(i32, (_NA, _NT), 0)
    a_onehot = (a_iota == bn[None, :]).astype(f32)
    awb = jnp.sum(a_onehot * aw[:, None], axis=0)
    alb = jnp.sum(a_onehot * al[:, None], axis=0)

    gif = gi.astype(f32)
    gjf = gj.astype(f32)
    pxg = xg + gif
    pyg = yg + gjf
    pwg = jnp.exp(wg) * awb
    plg = jnp.exp(lg) * alb
    parea_t = pwg * plg
    pxl = pxg - pwg * 0.5
    pxr = pxg + pwg * 0.5
    pyl = pyg - plg * 0.5
    pyr = pyg + plg * 0.5

    c_t = _THRESH / (1.0 + _THRESH)
    cga = jnp.where(valid, c_t * garea, 1.0e30)
    cwm = (jnp.minimum(pxr[:, None], gxr[None, :])
           - jnp.maximum(pxl[:, None], gxl[None, :]))
    chm = (jnp.minimum(pyr[:, None], gyr[None, :])
           - jnp.maximum(pyl[:, None], gyl[None, :]))
    interm = jnp.maximum(cwm, 0.0) * jnp.maximum(chm, 0.0)
    mloc = jnp.max(interm - cga[None, :], axis=1)
    noobjg = (mloc <= c_t * parea_t).astype(f32)

    tx = gx - gif
    ty = gy - gjf
    gw_s = jnp.where(do, gw, 1.0)
    gl_s = jnp.where(do, gl, 1.0)
    tw = jnp.log(gw_s / awb)
    tl = jnp.log(gl_s / alb)
    tim = tgt[5]
    tre = tgt[6]

    coord = ((xg - tx) ** 2 + (yg - ty) ** 2 + (wg - tw) ** 2
             + (lg - tl) ** 2 + (img - tim) ** 2 + (reg - tre) ** 2)

    cw2 = jnp.minimum(gxr, pxr) - jnp.maximum(gxl, pxl)
    ch2 = jnp.minimum(gyr, pyr) - jnp.maximum(gyl, pyl)
    ca2 = cw2 * ch2
    confv = jnp.where((cw2 <= 0.0) | (ch2 <= 0.0), 0.0,
                      ca2 / (garea + parea_t - ca2))

    cmax = jnp.max(cls_g, axis=0)
    lse = cmax + jnp.log(jnp.sum(jnp.exp(cls_g - cmax[None]), axis=0))
    c_iota = lax.broadcasted_iota(i32, (_NC, _NT), 0)
    tcls = tgt[0].astype(i32)
    picked = jnp.sum(jnp.where(c_iota == tcls[None, :], cls_g, 0.0), axis=0)

    per_t = (0.5 * coord
             + 0.5 * _OBJ * _OBJ * (cg - confv) ** 2
             - 0.5 * noobjg * cg * cg
             + (lse - picked))
    out_ref[:, :, :] = jnp.sum(jnp.where(win, per_t, 0.0))[None, None, None]


def kernel(output, target):
    nB = output.shape[0]
    f32 = jnp.float32
    anc = jnp.asarray(_ANCHORS, f32).reshape(_NA, 2).T

    lanes = jnp.arange(_RPAD, dtype=jnp.int32)
    s_mat = jnp.where(
        lanes[None, :] < _ROWS,
        (lanes[None, :] % _NT
         == jnp.arange(_NT, dtype=jnp.int32)[:, None]).astype(f32),
        0.0)
    off = jnp.where(lanes < _ROWS, (lanes // _NT) * (_NH * _NW), 0).astype(f32)
    idx = pl.pallas_call(
        _idx_body,
        in_specs=[
            pl.BlockSpec((nB, 7, _NT), lambda: (0, 0, 0)),
            pl.BlockSpec((2, _NA), lambda: (0, 0)),
            pl.BlockSpec((_NT, _RPAD), lambda: (0, 0)),
            pl.BlockSpec((1, _RPAD), lambda: (0, 0)),
        ],
        out_specs=pl.BlockSpec((nB, _RPAD), lambda: (0, 0)),
        out_shape=jax.ShapeDtypeStruct((nB, _RPAD), jnp.int32),
    )(target.transpose(0, 2, 1), anc, s_mat, off[None, :])

    o3d = output.reshape(nB, _NA * _NCH, _NH * _NW)
    if _EMULATE_SC:
        gathered = jnp.take_along_axis(
            o3d.reshape(nB, _NA * _NCH * _NH * _NW), idx, axis=1
        ).reshape(nB, 1, _RPAD)
    else:
        mesh = plsc.VectorSubcoreMesh(core_axis_name="c",
                                      subcore_axis_name="s")
        gather_k = functools.partial(
            pl.kernel, mesh=mesh,
            compiler_params=pltpu.CompilerParams(needs_layout_passes=False),
            out_type=jax.ShapeDtypeStruct((nB, 1, _RPAD), f32),
            scratch_types=[
                pltpu.VMEM((_NA * _NCH * _NH * _NW,), f32),
                pltpu.VMEM((_RPAD,), jnp.int32),
                pltpu.VMEM((_RPAD,), f32),
                pltpu.SemaphoreType.DMA,
            ],
        )(_gather_body)
        gathered = gather_k(
            output.reshape(nB, _NA * _NCH * _NH * _NW), idx)

    t3 = target.transpose(0, 2, 1)
    dense = pl.pallas_call(
        _dense_body,
        grid=(nB,),
        in_specs=[
            pl.BlockSpec((1, _NA * _NCH, _NH * _NW), lambda b: (b, 0, 0)),
            pl.BlockSpec((1, 7, _NT), lambda b: (b, 0, 0)),
            pl.BlockSpec((2, _NA), lambda b: (0, 0)),
        ],
        out_specs=pl.BlockSpec((1, 1, 1), lambda b: (b, 0, 0)),
        out_shape=jax.ShapeDtypeStruct((nB, 1, 1), f32),
    )(output.reshape(nB, _NA * _NCH, _NH * _NW), t3, anc)

    corr = pl.pallas_call(
        _corr_body,
        grid=(nB,),
        in_specs=[
            pl.BlockSpec((1, 1, _RPAD), lambda b: (b, 0, 0)),
            pl.BlockSpec((1, 7, _NT), lambda b: (b, 0, 0)),
            pl.BlockSpec((2, _NA), lambda b: (0, 0)),
        ],
        out_specs=pl.BlockSpec((1, 1, 1), lambda b: (b, 0, 0)),
        out_shape=jax.ShapeDtypeStruct((nB, 1, 1), f32),
    )(gathered, t3, anc)

    return jnp.sum(dense) + jnp.sum(corr)

# --- scband reference (transcript-rebuilt; emitter-appended) ---
"""Pipeline reference for scband-region-loss-44787918963472 (READ-ONLY COPY).

The authoritative reference and input builder live on the scoring server;
editing this copy changes nothing except your own understanding.
"""

import jax, jax.numpy as jnp
import numpy as np

ANCHORS = [1.08, 1.19, 3.42, 4.41, 6.63, 11.38, 9.42, 5.11, 16.62, 10.52]
NA = 5
NC = 8
NOOBJ = 1.0
OBJ = 10.0
COORD = 1.0
CLS_SCALE = 1.0
THRESH = 0.6


def bbox_ious_np(b1, b2):
    mx = jnp.minimum(b1[0] - b1[2] / 2.0, b2[0] - b2[2] / 2.0)
    Mx = jnp.maximum(b1[0] + b1[2] / 2.0, b2[0] + b2[2] / 2.0)
    my = jnp.minimum(b1[1] - b1[3] / 2.0, b2[1] - b2[3] / 2.0)
    My = jnp.maximum(b1[1] + b1[3] / 2.0, b2[1] + b2[3] / 2.0)
    w1, h1, w2, h2 = b1[2], b1[3], b2[2], b2[3]
    cw = w1 + w2 - (Mx - mx)
    ch = h1 + h2 - (My - my)
    carea = jnp.where((cw <= 0) | (ch <= 0), 0.0, cw * ch)
    return carea / (w1 * h1 + w2 * h2 - carea)


def bbox_iou_1(b1, b2):
    mx = min(b1[0] - b1[2] / 2.0, b2[0] - b2[2] / 2.0)
    Mx = max(b1[0] + b1[2] / 2.0, b2[0] + b2[2] / 2.0)
    my = min(b1[1] - b1[3] / 2.0, b2[1] - b2[3] / 2.0)
    My = max(b1[1] + b1[3] / 2.0, b2[1] + b2[3] / 2.0)
    w1, h1, w2, h2 = b1[2], b1[3], b2[2], b2[3]
    cw = w1 + w2 - (Mx - mx)
    ch = h1 + h2 - (My - my)
    if cw <= 0 or ch <= 0:
        return 0.0
    carea = cw * ch
    return float(carea / (w1 * h1 + w2 * h2 - carea))


def build_targets_np(pred_boxes, target, nH, nW):
    nB, nT = target.shape[0], target.shape[1]
    nAnchors = NA * nH * nW
    nPixels = nH * nW
    valid = jnp.cumprod((target[:, :, 1] != 0).astype(jnp.int32), axis=1) > 0
    pb = pred_boxes.reshape(nB, nAnchors, 6)
    b1 = [pb[:, None, :, 0], pb[:, None, :, 1], pb[:, None, :, 2], pb[:, None, :, 3]]
    gx_all = target[:, :, 1] * nW
    gy_all = target[:, :, 2] * nH
    gw_all = target[:, :, 3] * nW
    gl_all = target[:, :, 4] * nH
    b2 = [gx_all[:, :, None], gy_all[:, :, None], gw_all[:, :, None], gl_all[:, :, None]]
    ious_all = bbox_ious_np(b1, b2)
    cur_ious = jnp.max(jnp.where(valid[:, :, None], ious_all, 0.0), axis=1)
    conf_mask = jnp.where(cur_ious > THRESH, 0.0, NOOBJ).astype(jnp.float32).reshape(nB, NA, nH, nW)
    zeros = jnp.zeros((nB, NA, nH, nW), jnp.float32)
    aw = jnp.asarray(ANCHORS, jnp.float32).reshape(NA, 2)[:, 0]
    al = jnp.asarray(ANCHORS, jnp.float32).reshape(NA, 2)[:, 1]

    def body(i, carry):
        conf_mask, coord_mask, cls_mask, tx, ty, tw, tl, tim, tre, tconf, tcls = carry
        b = i // nT
        t = i - b * nT
        ok = valid[b, t]
        gx = target[b, t, 1] * nW
        gy = target[b, t, 2] * nH
        gi = gx.astype(jnp.int32)
        gj = gy.astype(jnp.int32)
        gw = target[b, t, 3] * nW
        gl = target[b, t, 4] * nH
        mx = jnp.minimum(0.0 - aw / 2.0, 0.0 - gw / 2.0)
        Mx = jnp.maximum(0.0 + aw / 2.0, 0.0 + gw / 2.0)
        my = jnp.minimum(0.0 - al / 2.0, 0.0 - gl / 2.0)
        My = jnp.maximum(0.0 + al / 2.0, 0.0 + gl / 2.0)
        cw = aw + gw - (Mx - mx)
        ch = al + gl - (My - my)
        carea = jnp.where((cw <= 0) | (ch <= 0), 0.0, cw * ch)
        ious = carea / (aw * al + gw * gl - carea)
        best_iou = jnp.max(ious)
        bn = jnp.argmax(ious).astype(jnp.int32)
        do = ok & (best_iou > 0.0)
        idx = b * nAnchors + bn * nPixels + gj * nW + gi
        pbv = pred_boxes[idx]
        mx2 = jnp.minimum(gx - gw / 2.0, pbv[0] - pbv[2] / 2.0)
        Mx2 = jnp.maximum(gx + gw / 2.0, pbv[0] + pbv[2] / 2.0)
        my2 = jnp.minimum(gy - gl / 2.0, pbv[1] - pbv[3] / 2.0)
        My2 = jnp.maximum(gy + gl / 2.0, pbv[1] + pbv[3] / 2.0)
        cw2 = gw + pbv[2] - (Mx2 - mx2)
        ch2 = gl + pbv[3] - (My2 - my2)
        ca2 = cw2 * ch2
        conf_val = jnp.where((cw2 <= 0) | (ch2 <= 0), 0.0, ca2 / (gw * gl + pbv[2] * pbv[3] - ca2))

        def put(arr, val):
            return arr.at[b, bn, gj, gi].set(jnp.where(do, val, arr[b, bn, gj, gi]))

        coord_mask = put(coord_mask, 1.0)
        cls_mask = put(cls_mask, 1.0)
        conf_mask = put(conf_mask, OBJ)
        tx = put(tx, gx - gi)
        ty = put(ty, gy - gj)
        tw = put(tw, jnp.log(gw / aw[bn]))
        tl = put(tl, jnp.log(gl / al[bn]))
        tim = put(tim, target[b, t, 5])
        tre = put(tre, target[b, t, 6])
        tconf = put(tconf, conf_val)
        tcls = put(tcls, target[b, t, 0])
        return (conf_mask, coord_mask, cls_mask, tx, ty, tw, tl, tim, tre, tconf, tcls)

    carry = jax.lax.fori_loop(
        0, nB * nT, body,
        (conf_mask, zeros, zeros, zeros, zeros, zeros, zeros, zeros, zeros, zeros, zeros),
    )
    return carry


def _parts(output):
    nB, nH, nW = output.shape[0], output.shape[2], output.shape[3]
    o = output.reshape(nB, NA, 7 + NC, nH, nW)
    x = jax.nn.sigmoid(o[:, :, 0])
    y = jax.nn.sigmoid(o[:, :, 1])
    w = o[:, :, 2]; l = o[:, :, 3]; im = o[:, :, 4]; re = o[:, :, 5]
    conf = jax.nn.sigmoid(o[:, :, 6])
    cls_prob = o[:, :, 7:].reshape(nB * NA, NC, nH * nW).transpose(0, 2, 1).reshape(nB * NA * nH * nW, NC)
    return x, y, w, l, im, re, conf, cls_prob


def _pred_boxes_np(x, y, w, l, im, re, nB, nH, nW):
    xn = x.reshape(-1); yn = y.reshape(-1)
    wn = w.reshape(-1); ln = l.reshape(-1)
    imn = im.reshape(-1); ren = re.reshape(-1)
    grid_x = jnp.tile(jnp.tile(jnp.arange(nW, dtype=jnp.float32)[None, :], (nH, 1))[None], (nB * NA, 1, 1)).reshape(-1)
    grid_y = jnp.tile(jnp.tile(jnp.arange(nH, dtype=jnp.float32)[:, None], (1, nW))[None], (nB * NA, 1, 1)).reshape(-1)
    aw = jnp.asarray(ANCHORS, jnp.float32).reshape(NA, 2)[:, 0]
    al = jnp.asarray(ANCHORS, jnp.float32).reshape(NA, 2)[:, 1]
    anchor_w = jnp.tile(aw[None, :, None], (nB, 1, nH * nW)).reshape(-1)
    anchor_l = jnp.tile(al[None, :, None], (nB, 1, nH * nW)).reshape(-1)
    return jnp.stack([xn + grid_x, yn + grid_y, jnp.exp(wn) * anchor_w, jnp.exp(ln) * anchor_l, imn, ren], axis=1)


def setup_inputs(seed: int = 0):
    key = jax.random.key(seed)
    k1, k2 = jax.random.split(key)
    output = jax.random.normal(k1, (32, 75, 32, 32), dtype=jnp.float32)
    target = jax.random.uniform(k2, (32, 50, 7), dtype=jnp.float32)
    return {"output": output, "target": target}


def reference(output, target):
    nB, _, nH, nW = output.shape
    x, y, w, l, im, re, conf, cls_prob = _parts(output)
    pred_boxes = _pred_boxes_np(x, y, w, l, im, re, nB, nH, nW)
    conf_mask, coord_mask, cls_mask, tx, ty, tw, tl, tim, tre, tconf, tcls = build_targets_np(pred_boxes, target, nH, nW)
    cm = coord_mask; cfm = conf_mask
    loss_x = COORD * jnp.sum((x * cm - tx * cm) ** 2) / 2.0
    loss_y = COORD * jnp.sum((y * cm - ty * cm) ** 2) / 2.0
    loss_w = COORD * jnp.sum((w * cm - tw * cm) ** 2) / 2.0
    loss_l = COORD * jnp.sum((l * cm - tl * cm) ** 2) / 2.0
    loss_im = COORD * jnp.sum((im * cm - tim * cm) ** 2) / 2.0
    loss_re = COORD * jnp.sum((re * cm - tre * cm) ** 2) / 2.0
    loss_conf = jnp.sum((conf * cfm - tconf * cfm) ** 2) / 2.0
    cls_w = cls_mask.reshape(-1)
    tcls_idx = tcls.reshape(-1).astype(jnp.int32)
    lse = jax.scipy.special.logsumexp(cls_prob, axis=1)
    picked = jnp.take_along_axis(cls_prob, tcls_idx[:, None], axis=1)[:, 0]
    loss_cls = CLS_SCALE * jnp.sum((lse - picked) * cls_w)
    return loss_x + loss_y + loss_w + loss_l + loss_im + loss_re + loss_conf + loss_cls

if __name__ == "__main__":
    import jax
    _d = setup_inputs()
    print(jax.jit(kernel)(*tuple(_d.values())))

</pallas_src>

<mosaic_0001>
#map = affine_map<(d0, d1) -> (0, 0)>
#map1 = affine_map<(d0, d1) -> (0, 0, 0)>
module attributes {stable_mosaic.version = 14 : i64} {
  func.func @_gather_body(%arg0: i32, %arg1: i32, %arg2: memref<32x76800xf32, #tpu.memory_space<hbm>>, %arg3: memref<32x768xi32, #tpu.memory_space<hbm>>, %arg4: memref<32x1x768xf32, #tpu.memory_space<hbm>>, %arg5: memref<76800xf32, #tpu.memory_space<vmem>>, %arg6: memref<768xi32, #tpu.memory_space<vmem>>, %arg7: memref<768xf32, #tpu.memory_space<vmem>>, %arg8: memref<!tpu.dma_semaphore, #tpu.memory_space<semaphore_mem>>) attributes {dimension_semantics = [#tpu.dimension_semantics<core_parallel>, #tpu.dimension_semantics<subcore_parallel>], iteration_bounds = array<i64: 2, 16>, scalar_prefetch = 0 : i64, scratch_operands = 4 : i64, tpu.core_type = #tpu.core_type<sc_vector_subcore>, window_params = [{transform_indices = #map}, {transform_indices = #map}, {transform_indices = #map1}]} {
    %mul3A = arith.constant 2 : i32
    %mul3A_0 = arith.muli %arg1, %mul3A : i32
    %add3A = arith.addi %mul3A_0, %arg0 : i32
    %dma_start3A = arith.constant 0 : i32
    %dma_start3A_1 = tpu.memref_slice %arg2[%add3A, %dma_start3A] : memref<32x76800xf32, #tpu.memory_space<hbm>> -> memref<1x76800xf32, #tpu.memory_space<hbm>>
    %dma_start3A_2 = tpu.memref_squeeze %dma_start3A_1 : memref<1x76800xf32, #tpu.memory_space<hbm>> -> memref<76800xf32, #tpu.memory_space<hbm>>
    %dma_start3A_3 = arith.constant 0 : i32
    %dma_start3A_4 = tpu.memref_slice %arg2[%add3A, %dma_start3A_3] : memref<32x76800xf32, #tpu.memory_space<hbm>> -> memref<1x76800xf32, #tpu.memory_space<hbm>>
    %dma_start3A_5 = tpu.memref_squeeze %dma_start3A_4 : memref<1x76800xf32, #tpu.memory_space<hbm>> -> memref<76800xf32, #tpu.memory_space<hbm>>
    tpu.enqueue_dma source(%dma_start3A_5 : memref<76800xf32, #tpu.memory_space<hbm>>) target(%arg5 : memref<76800xf32, #tpu.memory_space<vmem>>) target_semaphore(%arg8 : memref<!tpu.dma_semaphore, #tpu.memory_space<semaphore_mem>>)
    "tpu.region"() ({
      %run_scoped3A_248 = tpu.sem_alloc : memref<!tpu.dma_semaphore, #tpu.memory_space<semaphore_mem>>
      %dma_start3A_249 = arith.constant 0 : i32
      %dma_start3A_250 = tpu.memref_slice %arg3[%add3A, %dma_start3A_249] : memref<32x768xi32, #tpu.memory_space<hbm>> -> memref<1x768xi32, #tpu.memory_space<hbm>>
      %dma_start3A_251 = tpu.memref_squeeze %dma_start3A_250 : memref<1x768xi32, #tpu.memory_space<hbm>> -> memref<768xi32, #tpu.memory_space<hbm>>
      %dma_start3A_252 = arith.constant 0 : i32
      %dma_start3A_253 = tpu.memref_slice %arg3[%add3A, %dma_start3A_252] : memref<32x768xi32, #tpu.memory_space<hbm>> -> memref<1x768xi32, #tpu.memory_space<hbm>>
      %dma_start3A_254 = tpu.memref_squeeze %dma_start3A_253 : memref<1x768xi32, #tpu.memory_space<hbm>> -> memref<768xi32, #tpu.memory_space<hbm>>
      tpu.enqueue_dma source(%dma_start3A_254 : memref<768xi32, #tpu.memory_space<hbm>>) target(%arg6 : memref<768xi32, #tpu.memory_space<vmem>>) target_semaphore(%run_scoped3A_248 : memref<!tpu.dma_semaphore, #tpu.memory_space<semaphore_mem>>)
      %dma_wait3A_255 = arith.constant 0 : i32
      %dma_wait3A_256 = tpu.memref_slice %arg3[%add3A, %dma_wait3A_255] : memref<32x768xi32, #tpu.memory_space<hbm>> -> memref<1x768xi32, #tpu.memory_space<hbm>>
      %dma_wait3A_257 = tpu.memref_squeeze %dma_wait3A_256 : memref<1x768xi32, #tpu.memory_space<hbm>> -> memref<768xi32, #tpu.memory_space<hbm>>
      %dma_wait3A_258 = arith.constant 0 : i32
      %dma_wait3A_259 = tpu.memref_slice %arg3[%add3A, %dma_wait3A_258] : memref<32x768xi32, #tpu.memory_space<hbm>> -> memref<1x768xi32, #tpu.memory_space<hbm>>
      %dma_wait3A_260 = tpu.memref_squeeze %dma_wait3A_259 : memref<1x768xi32, #tpu.memory_space<hbm>> -> memref<768xi32, #tpu.memory_space<hbm>>
      tpu.wait_dma2 semaphore(%run_scoped3A_248 : memref<!tpu.dma_semaphore, #tpu.memory_space<semaphore_mem>>) src(%dma_wait3A_260 : memref<768xi32, #tpu.memory_space<hbm>>) dst(%arg6 : memref<768xi32, #tpu.memory_space<vmem>>)
      tpu.yield
    }) : () -> ()
    %dma_wait3A = arith.constant 0 : i32
    %dma_wait3A_6 = tpu.memref_slice %arg2[%add3A, %dma_wait3A] : memref<32x76800xf32, #tpu.memory_space<hbm>> -> memref<1x76800xf32, #tpu.memory_space<hbm>>
    %dma_wait3A_7 = tpu.memref_squeeze %dma_wait3A_6 : memref<1x76800xf32, #tpu.memory_space<hbm>> -> memref<76800xf32, #tpu.memory_space<hbm>>
    %dma_wait3A_8 = arith.constant 0 : i32
    %dma_wait3A_9 = tpu.memref_slice %arg2[%add3A, %dma_wait3A_8] : memref<32x76800xf32, #tpu.memory_space<hbm>> -> memref<1x76800xf32, #tpu.memory_space<hbm>>
    %dma_wait3A_10 = tpu.memref_squeeze %dma_wait3A_9 : memref<1x76800xf32, #tpu.memory_space<hbm>> -> memref<76800xf32, #tpu.memory_space<hbm>>
    tpu.wait_dma2 semaphore(%arg8 : memref<!tpu.dma_semaphore, #tpu.memory_space<semaphore_mem>>) src(%dma_wait3A_10 : memref<76800xf32, #tpu.memory_space<hbm>>) dst(%arg5 : memref<76800xf32, #tpu.memory_space<vmem>>)
    %get3A = arith.constant 0 : index
    %get3A_11 = tpu.vector_load %arg6[%get3A] {strides = array<i32>} : memref<768xi32, #tpu.memory_space<vmem>>, vector<16xi32>,
    %gather3A = tpu.vector_load_idx %arg5[%get3A_11] : memref<76800xf32, #tpu.memory_space<vmem>>[vector<16xi32>], vector<16xf32>,
    %swap3A = arith.constant 0 : index
    %swap3A_12 = tpu.vector_load %arg7[%swap3A] {strides = array<i32>} : memref<768xf32, #tpu.memory_space<vmem>>, vector<16xf32>,
    tpu.vector_store %arg7[%swap3A], %gather3A {strides = array<i32>} : memref<768xf32, #tpu.memory_space<vmem>>, vector<16xf32>,
    %get3A_13 = arith.constant 16 : index
    %get3A_14 = tpu.vector_load %arg6[%get3A_13] {strides = array<i32>} : memref<768xi32, #tpu.memory_space<vmem>>, vector<16xi32>,
    %gather3A_15 = tpu.vector_load_idx %arg5[%get3A_14] : memref<76800xf32, #tpu.memory_space<vmem>>[vector<16xi32>], vector<16xf32>,
    %swap3A_16 = arith.constant 16 : index
    %swap3A_17 = tpu.vector_load %arg7[%swap3A_16] {strides = array<i32>} : memref<768xf32, #tpu.memory_space<vmem>>, vector<16xf32>,
    tpu.vector_store %arg7[%swap3A_16], %gather3A_15 {strides = array<i32>} : memref<768xf32, #tpu.memory_space<vmem>>, vector<16xf32>,
    %get3A_18 = arith.constant 32 : index
    %get3A_19 = tpu.vector_load %arg6[%get3A_18] {strides = array<i32>} : memref<768xi32, #tpu.memory_space<vmem>>, vector<16xi32>,
    %gather3A_20 = tpu.vector_load_idx %arg5[%get3A_19] : memref<76800xf32, #tpu.memory_space<vmem>>[vector<16xi32>], vector<16xf32>,
    %swap3A_21 = arith.constant 32 : index
    %swap3A_22 = tpu.vector_load %arg7[%swap3A_21] {strides = array<i32>} : memref<768xf32, #tpu.memory_space<vmem>>, vector<16xf32>,
    tpu.vector_store %arg7[%swap3A_21], %gather3A_20 {strides = array<i32>} : memref<768xf32, #tpu.memory_space<vmem>>, vector<16xf32>,
    %get3A_23 = arith.constant 48 : index
    %get3A_24 = tpu.vector_load %arg6[%get3A_23] {strides = array<i32>} : memref<768xi32, #tpu.memory_space<vmem>>, vector<16xi32>,
    %gather3A_25 = tpu.vector_load_idx %arg5[%get3A_24] : memref<76800xf32, #tpu.memory_space<vmem>>[vector<16xi32>], vector<16xf32>,
    %swap3A_26 = arith.constant 48 : index
    %swap3A_27 = tpu.vector_load %arg7[%swap3A_26] {strides = array<i32>} : memref<768xf32, #tpu.memory_space<vmem>>, vector<16xf32>,
    tpu.vector_store %arg7[%swap3A_26], %gather3A_25 {strides = array<i32>} : memref<768xf32, #tpu.memory_space<vmem>>, vector<16xf32>,
    %get3A_28 = arith.constant 64 : index
    %get3A_29 = tpu.vector_load %arg6[%get3A_28] {strides = array<i32>} : memref<768xi32, #tpu.memory_space<vmem>>, vector<16xi32>,
    %gather3A_30 = tpu.vector_load_idx %arg5[%get3A_29] : memref<76800xf32, #tpu.memory_space<vmem>>[vector<16xi32>], vector<16xf32>,
    %swap3A_31 = arith.constant 64 : index
    %swap3A_32 = tpu.vector_load %arg7[%swap3A_31] {strides = array<i32>} : memref<768xf32, #tpu.memory_space<vmem>>, vector<16xf32>,
    tpu.vector_store %arg7[%swap3A_31], %gather3A_30 {strides = array<i32>} : memref<768xf32, #tpu.memory_space<vmem>>, vector<16xf32>,
    %get3A_33 = arith.constant 80 : index
    %get3A_34 = tpu.vector_load %arg6[%get3A_33] {strides = array<i32>} : memref<768xi32, #tpu.memory_space<vmem>>, vector<16xi32>,
    %gather3A_35 = tpu.vector_load_idx %arg5[%get3A_34] : memref<76800xf32, #tpu.memory_space<vmem>>[vector<16xi32>], vector<16xf32>,
    %swap3A_36 = arith.constant 80 : index
    %swap3A_37 = tpu.vector_load %arg7[%swap3A_36] {strides = array<i32>} : memref<768xf32, #tpu.memory_space<vmem>>, vector<16xf32>,
    tpu.vector_store %arg7[%swap3A_36], %gather3A_35 {strides = array<i32>} : memref<768xf32, #tpu.memory_space<vmem>>, vector<16xf32>,
    %get3A_38 = arith.constant 96 : index
    %get3A_39 = tpu.vector_load %arg6[%get3A_38] {strides = array<i32>} : memref<768xi32, #tpu.memory_space<vmem>>, vector<16xi32>,
    %gather3A_40 = tpu.vector_load_idx %arg5[%get3A_39] : memref<76800xf32, #tpu.memory_space<vmem>>[vector<16xi32>], vector<16xf32>,
    %swap3A_41 = arith.constant 96 : index
    %swap3A_42 = tpu.vector_load %arg7[%swap3A_41] {strides = array<i32>} : memref<768xf32, #tpu.memory_space<vmem>>, vector<16xf32>,
    tpu.vector_store %arg7[%swap3A_41], %gather3A_40 {strides = array<i32>} : memref<768xf32, #tpu.memory_space<vmem>>, vector<16xf32>,
    %get3A_43 = arith.constant 112 : index
    %get3A_44 = tpu.vector_load %arg6[%get3A_43] {strides = array<i32>} : memref<768xi32, #tpu.memory_space<vmem>>, vector<16xi32>,
    %gather3A_45 = tpu.vector_load_idx %arg5[%get3A_44] : memref<76800xf32, #tpu.memory_space<vmem>>[vector<16xi32>], vector<16xf32>,
    %swap3A_46 = arith.constant 112 : index
    %swap3A_47 = tpu.vector_load %arg7[%swap3A_46] {strides = array<i32>} : memref<768xf32, #tpu.memory_space<vmem>>, vector<16xf32>,
    tpu.vector_store %arg7[%swap3A_46], %gather3A_45 {strides = array<i32>} : memref<768xf32, #tpu.memory_space<vmem>>, vector<16xf32>,
    %get3A_48 = arith.constant 128 : index
    %get3A_49 = tpu.vector_load %arg6[%get3A_48] {strides = array<i32>} : memref<768xi32, #tpu.memory_space<vmem>>, vector<16xi32>,
    %gather3A_50 = tpu.vector_load_idx %arg5[%get3A_49] : memref<76800xf32, #tpu.memory_space<vmem>>[vector<16xi32>], vector<16xf32>,
    %swap3A_51 = arith.constant 128 : index
    %swap3A_52 = tpu.vector_load %arg7[%swap3A_51] {strides = array<i32>} : memref<768xf32, #tpu.memory_space<vmem>>, vector<16xf32>,
    tpu.vector_store %arg7[%swap3A_51], %gather3A_50 {strides = array<i32>} : memref<768xf32, #tpu.memory_space<vmem>>, vector<16xf32>,
    %get3A_53 = arith.constant 144 : index
    %get3A_54 = tpu.vector_load %arg6[%get3A_53] {strides = array<i32>} : memref<768xi32, #tpu.memory_space<vmem>>, vector<16xi32>,
    %gather3A_55 = tpu.vector_load_idx %arg5[%get3A_54] : memref<76800xf32, #tpu.memory_space<vmem>>[vector<16xi32>], vector<16xf32>,
    %swap3A_56 = arith.constant 144 : index
    %swap3A_57 = tpu.vector_load %arg7[%swap3A_56] {strides = array<i32>} : memref<768xf32, #tpu.memory_space<vmem>>, vector<16xf32>,
    tpu.vector_store %arg7[%swap3A_56], %gather3A_55 {strides = array<i32>} : memref<768xf32, #tpu.memory_space<vmem>>, vector<16xf32>,
    %get3A_58 = arith.constant 160 : index
    %get3A_59 = tpu.vector_load %arg6[%get3A_58] {strides = array<i32>} : memref<768xi32, #tpu.memory_space<vmem>>, vector<16xi32>,
    %gather3A_60 = tpu.vector_load_idx %arg5[%get3A_59] : memref<76800xf32, #tpu.memory_space<vmem>>[vector<16xi32>], vector<16xf32>,
    %swap3A_61 = arith.constant 160 : index
    %swap3A_62 = tpu.vector_load %arg7[%swap3A_61] {strides = array<i32>} : memref<768xf32, #tpu.memory_space<vmem>>, vector<16xf32>,
    tpu.vector_store %arg7[%swap3A_61], %gather3A_60 {strides = array<i32>} : memref<768xf32, #tpu.memory_space<vmem>>, vector<16xf32>,
    %get3A_63 = arith.constant 176 : index
    %get3A_64 = tpu.vector_load %arg6[%get3A_63] {strides = array<i32>} : memref<768xi32, #tpu.memory_space<vmem>>, vector<16xi32>,
    %gather3A_65 = tpu.vector_load_idx %arg5[%get3A_64] : memref<76800xf32, #tpu.memory_space<vmem>>[vector<16xi32>], vector<16xf32>,
    %swap3A_66 = arith.constant 176 : index
    %swap3A_67 = tpu.vector_load %arg7[%swap3A_66] {strides = array<i32>} : memref<768xf32, #tpu.memory_space<vmem>>, vector<16xf32>,
    tpu.vector_store %arg7[%swap3A_66], %gather3A_65 {strides = array<i32>} : memref<768xf32, #tpu.memory_space<vmem>>, vector<16xf32>,
    %get3A_68 = arith.constant 192 : index
    %get3A_69 = tpu.vector_load %arg6[%get3A_68] {strides = array<i32>} : memref<768xi32, #tpu.memory_space<vmem>>, vector<16xi32>,
    %gather3A_70 = tpu.vector_load_idx %arg5[%get3A_69] : memref<76800xf32, #tpu.memory_space<vmem>>[vector<16xi32>], vector<16xf32>,
    %swap3A_71 = arith.constant 192 : index
    %swap3A_72 = tpu.vector_load %arg7[%swap3A_71] {strides = array<i32>} : memref<768xf32, #tpu.memory_space<vmem>>, vector<16xf32>,
    tpu.vector_store %arg7[%swap3A_71], %gather3A_70 {strides = array<i32>} : memref<768xf32, #tpu.memory_space<vmem>>, vector<16xf32>,
    %get3A_73 = arith.constant 208 : index
    %get3A_74 = tpu.vector_load %arg6[%get3A_73] {strides = array<i32>} : memref<768xi32, #tpu.memory_space<vmem>>, vector<16xi32>,
    %gather3A_75 = tpu.vector_load_idx %arg5[%get3A_74] : memref<76800xf32, #tpu.memory_space<vmem>>[vector<16xi32>], vector<16xf32>,
    %swap3A_76 = arith.constant 208 : index
    %swap3A_77 = tpu.vector_load %arg7[%swap3A_76] {strides = array<i32>} : memref<768xf32, #tpu.memory_space<vmem>>, vector<16xf32>,
    tpu.vector_store %arg7[%swap3A_76], %gather3A_75 {strides = array<i32>} : memref<768xf32, #tpu.memory_space<vmem>>, vector<16xf32>,
    %get3A_78 = arith.constant 224 : index
    %get3A_79 = tpu.vector_load %arg6[%get3A_78] {strides = array<i32>} : memref<768xi32, #tpu.memory_space<vmem>>, vector<16xi32>,
    %gather3A_80 = tpu.vector_load_idx %arg5[%get3A_79] : memref<76800xf32, #tpu.memory_space<vmem>>[vector<16xi32>], vector<16xf32>,
    %swap3A_81 = arith.constant 224 : index
    %swap3A_82 = tpu.vector_load %arg7[%swap3A_81] {strides = array<i32>} : memref<768xf32, #tpu.memory_space<vmem>>, vector<16xf32>,
    tpu.vector_store %arg7[%swap3A_81], %gather3A_80 {strides = array<i32>} : memref<768xf32, #tpu.memory_space<vmem>>, vector<16xf32>,
    %get3A_83 = arith.constant 240 : index
    %get3A_84 = tpu.vector_load %arg6[%get3A_83] {strides = array<i32>} : memref<768xi32, #tpu.memory_space<vmem>>, vector<16xi32>,
    %gather3A_85 = tpu.vector_load_idx %arg5[%get3A_84] : memref<76800xf32, #tpu.memory_space<vmem>>[vector<16xi32>], vector<16xf32>,
    %swap3A_86 = arith.constant 240 : index
    %swap3A_87 = tpu.vector_load %arg7[%swap3A_86] {strides = array<i32>} : memref<768xf32, #tpu.memory_space<vmem>>, vector<16xf32>,
    tpu.vector_store %arg7[%swap3A_86], %gather3A_85 {strides = array<i32>} : memref<768xf32, #tpu.memory_space<vmem>>, vector<16xf32>,
    %get3A_88 = arith.constant 256 : index
    %get3A_89 = tpu.vector_load %arg6[%get3A_88] {strides = array<i32>} : memref<768xi32, #tpu.memory_space<vmem>>, vector<16xi32>,
    %gather3A_90 = tpu.vector_load_idx %arg5[%get3A_89] : memref<76800xf32, #tpu.memory_space<vmem>>[vector<16xi32>], vector<16xf32>,
    %swap3A_91 = arith.constant 256 : index
    %swap3A_92 = tpu.vector_load %arg7[%swap3A_91] {strides = array<i32>} : memref<768xf32, #tpu.memory_space<vmem>>, vector<16xf32>,
    tpu.vector_store %arg7[%swap3A_91], %gather3A_90 {strides = array<i32>} : memref<768xf32, #tpu.memory_space<vmem>>, vector<16xf32>,
    %get3A_93 = arith.constant 272 : index
    %get3A_94 = tpu.vector_load %arg6[%get3A_93] {strides = array<i32>} : memref<768xi32, #tpu.memory_space<vmem>>, vector<16xi32>,
    %gather3A_95 = tpu.vector_load_idx %arg5[%get3A_94] : memref<76800xf32, #tpu.memory_space<vmem>>[vector<16xi32>], vector<16xf32>,
    %swap3A_96 = arith.constant 272 : index
    %swap3A_97 = tpu.vector_load %arg7[%swap3A_96] {strides = array<i32>} : memref<768xf32, #tpu.memory_space<vmem>>, vector<16xf32>,
    tpu.vector_store %arg7[%swap3A_96], %gather3A_95 {strides = array<i32>} : memref<768xf32, #tpu.memory_space<vmem>>, vector<16xf32>,
    %get3A_98 = arith.constant 288 : index
    %get3A_99 = tpu.vector_load %arg6[%get3A_98] {strides = array<i32>} : memref<768xi32, #tpu.memory_space<vmem>>, vector<16xi32>,
    %gather3A_100 = tpu.vector_load_idx %arg5[%get3A_99] : memref<76800xf32, #tpu.memory_space<vmem>>[vector<16xi32>], vector<16xf32>,
    %swap3A_101 = arith.constant 288 : index
    %swap3A_102 = tpu.vector_load %arg7[%swap3A_101] {strides = array<i32>} : memref<768xf32, #tpu.memory_space<vmem>>, vector<16xf32>,
    tpu.vector_store %arg7[%swap3A_101], %gather3A_100 {strides = array<i32>} : memref<768xf32, #tpu.memory_space<vmem>>, vector<16xf32>,
    %get3A_103 = arith.constant 304 : index
    %get3A_104 = tpu.vector_load %arg6[%get3A_103] {strides = array<i32>} : memref<768xi32, #tpu.memory_space<vmem>>, vector<16xi32>,
    %gather3A_105 = tpu.vector_load_idx %arg5[%get3A_104] : memref<76800xf32, #tpu.memory_space<vmem>>[vector<16xi32>], vector<16xf32>,
    %swap3A_106 = arith.constant 304 : index
    %swap3A_107 = tpu.vector_load %arg7[%swap3A_106] {strides = array<i32>} : memref<768xf32, #tpu.memory_space<vmem>>, vector<16xf32>,
    tpu.vector_store %arg7[%swap3A_106], %gather3A_105 {strides = array<i32>} : memref<768xf32, #tpu.memory_space<vmem>>, vector<16xf32>,
    %get3A_108 = arith.constant 320 : index
    %get3A_109 = tpu.vector_load %arg6[%get3A_108] {strides = array<i32>} : memref<768xi32, #tpu.memory_space<vmem>>, vector<16xi32>,
    %gather3A_110 = tpu.vector_load_idx %arg5[%get3A_109] : memref<76800xf32, #tpu.memory_space<vmem>>[vector<16xi32>], vector<16xf32>,
    %swap3A_111 = arith.constant 320 : index
    %swap3A_112 = tpu.vector_load %arg7[%swap3A_111] {strides = array<i32>} : memref<768xf32, #tpu.memory_space<vmem>>, vector<16xf32>,
    tpu.vector_store %arg7[%swap3A_111], %gather3A_110 {strides = array<i32>} : memref<768xf32, #tpu.memory_space<vmem>>, vector<16xf32>,
    %get3A_113 = arith.constant 336 : index
    %get3A_114 = tpu.vector_load %arg6[%get3A_113] {strides = array<i32>} : memref<768xi32, #tpu.memory_space<vmem>>, vector<16xi32>,
    %gather3A_115 = tpu.vector_load_idx %arg5[%get3A_114] : memref<76800xf32, #tpu.memory_space<vmem>>[vector<16xi32>], vector<16xf32>,
    %swap3A_116 = arith.constant 336 : index
    %swap3A_117 = tpu.vector_load %arg7[%swap3A_116] {strides = array<i32>} : memref<768xf32, #tpu.memory_space<vmem>>, vector<16xf32>,
    tpu.vector_store %arg7[%swap3A_116], %gather3A_115 {strides = array<i32>} : memref<768xf32, #tpu.memory_space<vmem>>, vector<16xf32>,
    %get3A_118 = arith.constant 352 : index
    %get3A_119 = tpu.vector_load %arg6[%get3A_118] {strides = array<i32>} : memref<768xi32, #tpu.memory_space<vmem>>, vector<16xi32>,
    %gather3A_120 = tpu.vector_load_idx %arg5[%get3A_119] : memref<76800xf32, #tpu.memory_space<vmem>>[vector<16xi32>], vector<16xf32>,
    %swap3A_121 = arith.constant 352 : index
    %swap3A_122 = tpu.vector_load %arg7[%swap3A_121] {strides = array<i32>} : memref<768xf32, #tpu.memory_space<vmem>>, vector<16xf32>,
    tpu.vector_store %arg7[%swap3A_121], %gather3A_120 {strides = array<i32>} : memref<768xf32, #tpu.memory_space<vmem>>, vector<16xf32>,
    %get3A_123 = arith.constant 368 : index
    %get3A_124 = tpu.vector_load %arg6[%get3A_123] {strides = array<i32>} : memref<768xi32, #tpu.memory_space<vmem>>, vector<16xi32>,
    %gather3A_125 = tpu.vector_load_idx %arg5[%get3A_124] : memref<76800xf32, #tpu.memory_space<vmem>>[vector<16xi32>], vector<16xf32>,
    %swap3A_126 = arith.constant 368 : index
    %swap3A_127 = tpu.vector_load %arg7[%swap3A_126] {strides = array<i32>} : memref<768xf32, #tpu.memory_space<vmem>>, vector<16xf32>,
    tpu.vector_store %arg7[%swap3A_126], %gather3A_125 {strides = array<i32>} : memref<768xf32, #tpu.memory_space<vmem>>, vector<16xf32>,
    %get3A_128 = arith.constant 384 : index
    %get3A_129 = tpu.vector_load %arg6[%get3A_128] {strides = array<i32>} : memref<768xi32, #tpu.memory_space<vmem>>, vector<16xi32>,
    %gather3A_130 = tpu.vector_load_idx %arg5[%get3A_129] : memref<76800xf32, #tpu.memory_space<vmem>>[vector<16xi32>], vector<16xf32>,
    %swap3A_131 = arith.constant 384 : index
    %swap3A_132 = tpu.vector_load %arg7[%swap3A_131] {strides = array<i32>} : memref<768xf32, #tpu.memory_space<vmem>>, vector<16xf32>,
    tpu.vector_store %arg7[%swap3A_131], %gather3A_130 {strides = array<i32>} : memref<768xf32, #tpu.memory_space<vmem>>, vector<16xf32>,
    %get3A_133 = arith.constant 400 : index
    %get3A_134 = tpu.vector_load %arg6[%get3A_133] {strides = array<i32>} : memref<768xi32, #tpu.memory_space<vmem>>, vector<16xi32>,
    %gather3A_135 = tpu.vector_load_idx %arg5[%get3A_134] : memref<76800xf32, #tpu.memory_space<vmem>>[vector<16xi32>], vector<16xf32>,
    %swap3A_136 = arith.constant 400 : index
    %swap3A_137 = tpu.vector_load %arg7[%swap3A_136] {strides = array<i32>} : memref<768xf32, #tpu.memory_space<vmem>>, vector<16xf32>,
    tpu.vector_store %arg7[%swap3A_136], %gather3A_135 {strides = array<i32>} : memref<768xf32, #tpu.memory_space<vmem>>, vector<16xf32>,
    %get3A_138 = arith.constant 416 : index
    %get3A_139 = tpu.vector_load %arg6[%get3A_138] {strides = array<i32>} : memref<768xi32, #tpu.memory_space<vmem>>, vector<16xi32>,
    %gather3A_140 = tpu.vector_load_idx %arg5[%get3A_139] : memref<76800xf32, #tpu.memory_space<vmem>>[vector<16xi32>], vector<16xf32>,
    %swap3A_141 = arith.constant 416 : index
    %swap3A_142 = tpu.vector_load %arg7[%swap3A_141] {strides = array<i32>} : memref<768xf32, #tpu.memory_space<vmem>>, vector<16xf32>,
    tpu.vector_store %arg7[%swap3A_141], %gather3A_140 {strides = array<i32>} : memref<768xf32, #tpu.memory_space<vmem>>, vector<16xf32>,
    %get3A_143 = arith.constant 432 : index
    %get3A_144 = tpu.vector_load %arg6[%get3A_143] {strides = array<i32>} : memref<768xi32, #tpu.memory_space<vmem>>, vector<16xi32>,
    %gather3A_145 = tpu.vector_load_idx %arg5[%get3A_144] : memref<76800xf32, #tpu.memory_space<vmem>>[vector<16xi32>], vector<16xf32>,
    %swap3A_146 = arith.constant 432 : index
    %swap3A_147 = tpu.vector_load %arg7[%swap3A_146] {strides = array<i32>} : memref<768xf32, #tpu.memory_space<vmem>>, vector<16xf32>,
    tpu.vector_store %arg7[%swap3A_146], %gather3A_145 {strides = array<i32>} : memref<768xf32, #tpu.memory_space<vmem>>, vector<16xf32>,
    %get3A_148 = arith.constant 448 : index
    %get3A_149 = tpu.vector_load %arg6[%get3A_148] {strides = array<i32>} : memref<768xi32, #tpu.memory_space<vmem>>, vector<16xi32>,
    %gather3A_150 = tpu.vector_load_idx %arg5[%get3A_149] : memref<76800xf32, #tpu.memory_space<vmem>>[vector<16xi32>], vector<16xf32>,
    %swap3A_151 = arith.constant 448 : index
    %swap3A_152 = tpu.vector_load %arg7[%swap3A_151] {strides = array<i32>} : memref<768xf32, #tpu.memory_space<vmem>>, vector<16xf32>,
    tpu.vector_store %arg7[%swap3A_151], %gather3A_150 {strides = array<i32>} : memref<768xf32, #tpu.memory_space<vmem>>, vector<16xf32>,
    %get3A_153 = arith.constant 464 : index
    %get3A_154 = tpu.vector_load %arg6[%get3A_153] {strides = array<i32>} : memref<768xi32, #tpu.memory_space<vmem>>, vector<16xi32>,
    %gather3A_155 = tpu.vector_load_idx %arg5[%get3A_154] : memref<76800xf32, #tpu.memory_space<vmem>>[vector<16xi32>], vector<16xf32>,
    %swap3A_156 = arith.constant 464 : index
    %swap3A_157 = tpu.vector_load %arg7[%swap3A_156] {strides = array<i32>} : memref<768xf32, #tpu.memory_space<vmem>>, vector<16xf32>,
    tpu.vector_store %arg7[%swap3A_156], %gather3A_155 {strides = array<i32>} : memref<768xf32, #tpu.memory_space<vmem>>, vector<16xf32>,
    %get3A_158 = arith.constant 480 : index
    %get3A_159 = tpu.vector_load %arg6[%get3A_158] {strides = array<i32>} : memref<768xi32, #tpu.memory_space<vmem>>, vector<16xi32>,
    %gather3A_160 = tpu.vector_load_idx %arg5[%get3A_159] : memref<76800xf32, #tpu.memory_space<vmem>>[vector<16xi32>], vector<16xf32>,
    %swap3A_161 = arith.constant 480 : index
    %swap3A_162 = tpu.vector_load %arg7[%swap3A_161] {strides = array<i32>} : memref<768xf32, #tpu.memory_space<vmem>>, vector<16xf32>,
    tpu.vector_store %arg7[%swap3A_161], %gather3A_160 {strides = array<i32>} : memref<768xf32, #tpu.memory_space<vmem>>, vector<16xf32>,
    %get3A_163 = arith.constant 496 : index
    %get3A_164 = tpu.vector_load %arg6[%get3A_163] {strides = array<i32>} : memref<768xi32, #tpu.memory_space<vmem>>, vector<16xi32>,
    %gather3A_165 = tpu.vector_load_idx %arg5[%get3A_164] : memref<76800xf32, #tpu.memory_space<vmem>>[vector<16xi32>], vector<16xf32>,
    %swap3A_166 = arith.constant 496 : index
    %swap3A_167 = tpu.vector_load %arg7[%swap3A_166] {strides = array<i32>} : memref<768xf32, #tpu.memory_space<vmem>>, vector<16xf32>,
    tpu.vector_store %arg7[%swap3A_166], %gather3A_165 {strides = array<i32>} : memref<768xf32, #tpu.memory_space<vmem>>, vector<16xf32>,
    %get3A_168 = arith.constant 512 : index
    %get3A_169 = tpu.vector_load %arg6[%get3A_168] {strides = array<i32>} : memref<768xi32, #tpu.memory_space<vmem>>, vector<16xi32>,
    %gather3A_170 = tpu.vector_load_idx %arg5[%get3A_169] : memref<76800xf32, #tpu.memory_space<vmem>>[vector<16xi32>], vector<16xf32>,
    %swap3A_171 = arith.constant 512 : index
    %swap3A_172 = tpu.vector_load %arg7[%swap3A_171] {strides = array<i32>} : memref<768xf32, #tpu.memory_space<vmem>>, vector<16xf32>,
    tpu.vector_store %arg7[%swap3A_171], %gather3A_170 {strides = array<i32>} : memref<768xf32, #tpu.memory_space<vmem>>, vector<16xf32>,
    %get3A_173 = arith.constant 528 : index
    %get3A_174 = tpu.vector_load %arg6[%get3A_173] {strides = array<i32>} : memref<768xi32, #tpu.memory_space<vmem>>, vector<16xi32>,
    %gather3A_175 = tpu.vector_load_idx %arg5[%get3A_174] : memref<76800xf32, #tpu.memory_space<vmem>>[vector<16xi32>], vector<16xf32>,
    %swap3A_176 = arith.constant 528 : index
    %swap3A_177 = tpu.vector_load %arg7[%swap3A_176] {strides = array<i32>} : memref<768xf32, #tpu.memory_space<vmem>>, vector<16xf32>,
    tpu.vector_store %arg7[%swap3A_176], %gather3A_175 {strides = array<i32>} : memref<768xf32, #tpu.memory_space<vmem>>, vector<16xf32>,
    %get3A_178 = arith.constant 544 : index
    %get3A_179 = tpu.vector_load %arg6[%get3A_178] {strides = array<i32>} : memref<768xi32, #tpu.memory_space<vmem>>, vector<16xi32>,
    %gather3A_180 = tpu.vector_load_idx %arg5[%get3A_179] : memref<76800xf32, #tpu.memory_space<vmem>>[vector<16xi32>], vector<16xf32>,
    %swap3A_181 = arith.constant 544 : index
    %swap3A_182 = tpu.vector_load %arg7[%swap3A_181] {strides = array<i32>} : memref<768xf32, #tpu.memory_space<vmem>>, vector<16xf32>,
    tpu.vector_store %arg7[%swap3A_181], %gather3A_180 {strides = array<i32>} : memref<768xf32, #tpu.memory_space<vmem>>, vector<16xf32>,
    %get3A_183 = arith.constant 560 : index
    %get3A_184 = tpu.vector_load %arg6[%get3A_183] {strides = array<i32>} : memref<768xi32, #tpu.memory_space<vmem>>, vector<16xi32>,
    %gather3A_185 = tpu.vector_load_idx %arg5[%get3A_184] : memref<76800xf32, #tpu.memory_space<vmem>>[vector<16xi32>], vector<16xf32>,
    %swap3A_186 = arith.constant 560 : index
    %swap3A_187 = tpu.vector_load %arg7[%swap3A_186] {strides = array<i32>} : memref<768xf32, #tpu.memory_space<vmem>>, vector<16xf32>,
    tpu.vector_store %arg7[%swap3A_186], %gather3A_185 {strides = array<i32>} : memref<768xf32, #tpu.memory_space<vmem>>, vector<16xf32>,
    %get3A_188 = arith.constant 576 : index
    %get3A_189 = tpu.vector_load %arg6[%get3A_188] {strides = array<i32>} : memref<768xi32, #tpu.memory_space<vmem>>, vector<16xi32>,
    %gather3A_190 = tpu.vector_load_idx %arg5[%get3A_189] : memref<76800xf32, #tpu.memory_space<vmem>>[vector<16xi32>], vector<16xf32>,
    %swap3A_191 = arith.constant 576 : index
    %swap3A_192 = tpu.vector_load %arg7[%swap3A_191] {strides = array<i32>} : memref<768xf32, #tpu.memory_space<vmem>>, vector<16xf32>,
    tpu.vector_store %arg7[%swap3A_191], %gather3A_190 {strides = array<i32>} : memref<768xf32, #tpu.memory_space<vmem>>, vector<16xf32>,
    %get3A_193 = arith.constant 592 : index
    %get3A_194 = tpu.vector_load %arg6[%get3A_193] {strides = array<i32>} : memref<768xi32, #tpu.memory_space<vmem>>, vector<16xi32>,
    %gather3A_195 = tpu.vector_load_idx %arg5[%get3A_194] : memref<76800xf32, #tpu.memory_space<vmem>>[vector<16xi32>], vector<16xf32>,
    %swap3A_196 = arith.constant 592 : index
    %swap3A_197 = tpu.vector_load %arg7[%swap3A_196] {strides = array<i32>} : memref<768xf32, #tpu.memory_space<vmem>>, vector<16xf32>,
    tpu.vector_store %arg7[%swap3A_196], %gather3A_195 {strides = array<i32>} : memref<768xf32, #tpu.memory_space<vmem>>, vector<16xf32>,
    %get3A_198 = arith.constant 608 : index
    %get3A_199 = tpu.vector_load %arg6[%get3A_198] {strides = array<i32>} : memref<768xi32, #tpu.memory_space<vmem>>, vector<16xi32>,
    %gather3A_200 = tpu.vector_load_idx %arg5[%get3A_199] : memref<76800xf32, #tpu.memory_space<vmem>>[vector<16xi32>], vector<16xf32>,
    %swap3A_201 = arith.constant 608 : index
    %swap3A_202 = tpu.vector_load %arg7[%swap3A_201] {strides = array<i32>} : memref<768xf32, #tpu.memory_space<vmem>>, vector<16xf32>,
    tpu.vector_store %arg7[%swap3A_201], %gather3A_200 {strides = array<i32>} : memref<768xf32, #tpu.memory_space<vmem>>, vector<16xf32>,
    %get3A_203 = arith.constant 624 : index
    %get3A_204 = tpu.vector_load %arg6[%get3A_203] {strides = array<i32>} : memref<768xi32, #tpu.memory_space<vmem>>, vector<16xi32>,
    %gather3A_205 = tpu.vector_load_idx %arg5[%get3A_204] : memref<76800xf32, #tpu.memory_space<vmem>>[vector<16xi32>], vector<16xf32>,
    %swap3A_206 = arith.constant 624 : index
    %swap3A_207 = tpu.vector_load %arg7[%swap3A_206] {strides = array<i32>} : memref<768xf32, #tpu.memory_space<vmem>>, vector<16xf32>,
    tpu.vector_store %arg7[%swap3A_206], %gather3A_205 {strides = array<i32>} : memref<768xf32, #tpu.memory_space<vmem>>, vector<16xf32>,
    %get3A_208 = arith.constant 640 : index
    %get3A_209 = tpu.vector_load %arg6[%get3A_208] {strides = array<i32>} : memref<768xi32, #tpu.memory_space<vmem>>, vector<16xi32>,
    %gather3A_210 = tpu.vector_load_idx %arg5[%get3A_209] : memref<76800xf32, #tpu.memory_space<vmem>>[vector<16xi32>], vector<16xf32>,
    %swap3A_211 = arith.constant 640 : index
    %swap3A_212 = tpu.vector_load %arg7[%swap3A_211] {strides = array<i32>} : memref<768xf32, #tpu.memory_space<vmem>>, vector<16xf32>,
    tpu.vector_store %arg7[%swap3A_211], %gather3A_210 {strides = array<i32>} : memref<768xf32, #tpu.memory_space<vmem>>, vector<16xf32>,
    %get3A_213 = arith.constant 656 : index
    %get3A_214 = tpu.vector_load %arg6[%get3A_213] {strides = array<i32>} : memref<768xi32, #tpu.memory_space<vmem>>, vector<16xi32>,
    %gather3A_215 = tpu.vector_load_idx %arg5[%get3A_214] : memref<76800xf32, #tpu.memory_space<vmem>>[vector<16xi32>], vector<16xf32>,
    %swap3A_216 = arith.constant 656 : index
    %swap3A_217 = tpu.vector_load %arg7[%swap3A_216] {strides = array<i32>} : memref<768xf32, #tpu.memory_space<vmem>>, vector<16xf32>,
    tpu.vector_store %arg7[%swap3A_216], %gather3A_215 {strides = array<i32>} : memref<768xf32, #tpu.memory_space<vmem>>, vector<16xf32>,
    %get3A_218 = arith.constant 672 : index
    %get3A_219 = tpu.vector_load %arg6[%get3A_218] {strides = array<i32>} : memref<768xi32, #tpu.memory_space<vmem>>, vector<16xi32>,
    %gather3A_220 = tpu.vector_load_idx %arg5[%get3A_219] : memref<76800xf32, #tpu.memory_space<vmem>>[vector<16xi32>], vector<16xf32>,
    %swap3A_221 = arith.constant 672 : index
    %swap3A_222 = tpu.vector_load %arg7[%swap3A_221] {strides = array<i32>} : memref<768xf32, #tpu.memory_space<vmem>>, vector<16xf32>,
    tpu.vector_store %arg7[%swap3A_221], %gather3A_220 {strides = array<i32>} : memref<768xf32, #tpu.memory_space<vmem>>, vector<16xf32>,
    %get3A_223 = arith.constant 688 : index
    %get3A_224 = tpu.vector_load %arg6[%get3A_223] {strides = array<i32>} : memref<768xi32, #tpu.memory_space<vmem>>, vector<16xi32>,
    %gather3A_225 = tpu.vector_load_idx %arg5[%get3A_224] : memref<76800xf32, #tpu.memory_space<vmem>>[vector<16xi32>], vector<16xf32>,
    %swap3A_226 = arith.constant 688 : index
    %swap3A_227 = tpu.vector_load %arg7[%swap3A_226] {strides = array<i32>} : memref<768xf32, #tpu.memory_space<vmem>>, vector<16xf32>,
    tpu.vector_store %arg7[%swap3A_226], %gather3A_225 {strides = array<i32>} : memref<768xf32, #tpu.memory_space<vmem>>, vector<16xf32>,
    %get3A_228 = arith.constant 704 : index
    %get3A_229 = tpu.vector_load %arg6[%get3A_228] {strides = array<i32>} : memref<768xi32, #tpu.memory_space<vmem>>, vector<16xi32>,
    %gather3A_230 = tpu.vector_load_idx %arg5[%get3A_229] : memref<76800xf32, #tpu.memory_space<vmem>>[vector<16xi32>], vector<16xf32>,
    %swap3A_231 = arith.constant 704 : index
    %swap3A_232 = tpu.vector_load %arg7[%swap3A_231] {strides = array<i32>} : memref<768xf32, #tpu.memory_space<vmem>>, vector<16xf32>,
    tpu.vector_store %arg7[%swap3A_231], %gather3A_230 {strides = array<i32>} : memref<768xf32, #tpu.memory_space<vmem>>, vector<16xf32>,
    %get3A_233 = arith.constant 720 : index
    %get3A_234 = tpu.vector_load %arg6[%get3A_233] {strides = array<i32>} : memref<768xi32, #tpu.memory_space<vmem>>, vector<16xi32>,
    %gather3A_235 = tpu.vector_load_idx %arg5[%get3A_234] : memref<76800xf32, #tpu.memory_space<vmem>>[vector<16xi32>], vector<16xf32>,
    %swap3A_236 = arith.constant 720 : index
    %swap3A_237 = tpu.vector_load %arg7[%swap3A_236] {strides = array<i32>} : memref<768xf32, #tpu.memory_space<vmem>>, vector<16xf32>,
    tpu.vector_store %arg7[%swap3A_236], %gather3A_235 {strides = array<i32>} : memref<768xf32, #tpu.memory_space<vmem>>, vector<16xf32>,
    %get3A_238 = arith.constant 736 : index
    %get3A_239 = tpu.vector_load %arg6[%get3A_238] {strides = array<i32>} : memref<768xi32, #tpu.memory_space<vmem>>, vector<16xi32>,
    %gather3A_240 = tpu.vector_load_idx %arg5[%get3A_239] : memref<76800xf32, #tpu.memory_space<vmem>>[vector<16xi32>], vector<16xf32>,
    %swap3A_241 = arith.constant 736 : index
    %swap3A_242 = tpu.vector_load %arg7[%swap3A_241] {strides = array<i32>} : memref<768xf32, #tpu.memory_space<vmem>>, vector<16xf32>,
    tpu.vector_store %arg7[%swap3A_241], %gather3A_240 {strides = array<i32>} : memref<768xf32, #tpu.memory_space<vmem>>, vector<16xf32>,
    %get3A_243 = arith.constant 752 : index
    %get3A_244 = tpu.vector_load %arg6[%get3A_243] {strides = array<i32>} : memref<768xi32, #tpu.memory_space<vmem>>, vector<16xi32>,
    %gather3A_245 = tpu.vector_load_idx %arg5[%get3A_244] : memref<76800xf32, #tpu.memory_space<vmem>>[vector<16xi32>], vector<16xf32>,
    %swap3A_246 = arith.constant 752 : index
    %swap3A_247 = tpu.vector_load %arg7[%swap3A_246] {strides = array<i32>} : memref<768xf32, #tpu.memory_space<vmem>>, vector<16xf32>,
    tpu.vector_store %arg7[%swap3A_246], %gather3A_245 {strides = array<i32>} : memref<768xf32, #tpu.memory_space<vmem>>, vector<16xf32>,
    %run_scoped3A = arith.constant 0 : i32
    "tpu.region"() ({
      %run_scoped3A_248 = tpu.sem_alloc : memref<!tpu.dma_semaphore, #tpu.memory_space<semaphore_mem>>
      %dma_start3A_249 = arith.constant 0 : i32
      %dma_start3A_250 = tpu.memref_slice %arg4[%add3A, %run_scoped3A, %dma_start3A_249] : memref<32x1x768xf32, #tpu.memory_space<hbm>> -> memref<1x1x768xf32, #tpu.memory_space<hbm>>
      %dma_start3A_251 = tpu.memref_squeeze %dma_start3A_250 : memref<1x1x768xf32, #tpu.memory_space<hbm>> -> memref<768xf32, #tpu.memory_space<hbm>>
      %dma_start3A_252 = arith.constant 0 : i32
      %dma_start3A_253 = tpu.memref_slice %arg4[%add3A, %run_scoped3A, %dma_start3A_252] : memref<32x1x768xf32, #tpu.memory_space<hbm>> -> memref<1x1x768xf32, #tpu.memory_space<hbm>>
      %dma_start3A_254 = tpu.memref_squeeze %dma_start3A_253 : memref<1x1x768xf32, #tpu.memory_space<hbm>> -> memref<768xf32, #tpu.memory_space<hbm>>
      tpu.enqueue_dma source(%arg7 : memref<768xf32, #tpu.memory_space<vmem>>) target(%dma_start3A_254 : memref<768xf32, #tpu.memory_space<hbm>>) target_semaphore(%run_scoped3A_248 : memref<!tpu.dma_semaphore, #tpu.memory_space<semaphore_mem>>)
      %dma_wait3A_255 = arith.constant 0 : i32
      %dma_wait3A_256 = tpu.memref_slice %arg4[%add3A, %run_scoped3A, %dma_wait3A_255] : memref<32x1x768xf32, #tpu.memory_space<hbm>> -> memref<1x1x768xf32, #tpu.memory_space<hbm>>
      %dma_wait3A_257 = tpu.memref_squeeze %dma_wait3A_256 : memref<1x1x768xf32, #tpu.memory_space<hbm>> -> memref<768xf32, #tpu.memory_space<hbm>>
      %dma_wait3A_258 = arith.constant 0 : i32
      %dma_wait3A_259 = tpu.memref_slice %arg4[%add3A, %run_scoped3A, %dma_wait3A_258] : memref<32x1x768xf32, #tpu.memory_space<hbm>> -> memref<1x1x768xf32, #tpu.memory_space<hbm>>
      %dma_wait3A_260 = tpu.memref_squeeze %dma_wait3A_259 : memref<1x1x768xf32, #tpu.memory_space<hbm>> -> memref<768xf32, #tpu.memory_space<hbm>>
      tpu.wait_dma2 semaphore(%run_scoped3A_248 : memref<!tpu.dma_semaphore, #tpu.memory_space<semaphore_mem>>) src(%arg7 : memref<768xf32, #tpu.memory_space<vmem>>) dst(%dma_wait3A_260 : memref<768xf32, #tpu.memory_space<hbm>>)
      tpu.yield
    }) : () -> ()
    return
  }
}

module attributes {stable_mosaic.version = 14 : i64} {
  func.func @_idx_body(%arg0: memref<32x7x50xf32, #tpu.memory_space<vmem>>, %arg1: memref<2x5xf32, #tpu.memory_space<vmem>>, %arg2: memref<50x768xf32, #tpu.memory_space<vmem>>, %arg3: memref<1x768xf32, #tpu.memory_space<vmem>>, %arg4: memref<32x768xi32, #tpu.memory_space<vmem>>) attributes {dimension_semantics = [], scalar_prefetch = 0 : i64, scratch_operands = 0 : i64, tpu.core_type = #tpu.core_type<tc>} {
    %get3A = arith.constant 0 : index
    %get3A_0 = arith.constant 0 : index
    %get3A_1 = vector.load %arg1[%get3A, %get3A_0] : memref<2x5xf32, #tpu.memory_space<vmem>>, vector<1x5xf32>
    %get3A_2 = vector.shape_cast %get3A_1 : vector<1x5xf32> to vector<5xf32>
    %broadcast_in_dim3A = vector.shape_cast %get3A_2 : vector<5xf32> to vector<1x5x1xf32>
    %get3A_3 = arith.constant 1 : index
    %get3A_4 = arith.constant 0 : index
    %get3A_5 = vector.load %arg1[%get3A_3, %get3A_4] : memref<2x5xf32, #tpu.memory_space<vmem>>, vector<1x5xf32>
    %get3A_6 = vector.shape_cast %get3A_5 : vector<1x5xf32> to vector<5xf32>
    %broadcast_in_dim3A_7 = vector.shape_cast %get3A_6 : vector<5xf32> to vector<1x5x1xf32>
    %get3A_8 = arith.constant 0 : index
    %get3A_9 = arith.constant 1 : index
    %get3A_10 = arith.constant 0 : index
    %get3A_11 = vector.load %arg0[%get3A_8, %get3A_9, %get3A_10] : memref<32x7x50xf32, #tpu.memory_space<vmem>>, vector<32x1x50xf32>
    %get3A_12 = vector.shape_cast %get3A_11 : vector<32x1x50xf32> to vector<32x50xf32>
    %mul3A = arith.constant 3.200000e+01 : f32
    %mul3A_13 = vector.broadcast %mul3A : f32 to vector<32x50xf32>
    %mul3A_14 = arith.mulf %get3A_12, %mul3A_13 : vector<32x50xf32>
    %get3A_15 = arith.constant 0 : index
    %get3A_16 = arith.constant 2 : index
    %get3A_17 = arith.constant 0 : index
    %get3A_18 = vector.load %arg0[%get3A_15, %get3A_16, %get3A_17] : memref<32x7x50xf32, #tpu.memory_space<vmem>>, vector<32x1x50xf32>
    %get3A_19 = vector.shape_cast %get3A_18 : vector<32x1x50xf32> to vector<32x50xf32>
    %mul3A_20 = arith.constant 3.200000e+01 : f32
    %mul3A_21 = vector.broadcast %mul3A_20 : f32 to vector<32x50xf32>
    %mul3A_22 = arith.mulf %get3A_19, %mul3A_21 : vector<32x50xf32>
    %get3A_23 = arith.constant 0 : index
    %get3A_24 = arith.constant 3 : index
    %get3A_25 = arith.constant 0 : index
    %get3A_26 = vector.load %arg0[%get3A_23, %get3A_24, %get3A_25] : memref<32x7x50xf32, #tpu.memory_space<vmem>>, vector<32x1x50xf32>
    %get3A_27 = vector.shape_cast %get3A_26 : vector<32x1x50xf32> to vector<32x50xf32>
    %mul3A_28 = arith.constant 3.200000e+01 : f32
    %mul3A_29 = vector.broadcast %mul3A_28 : f32 to vector<32x50xf32>
    %mul3A_30 = arith.mulf %get3A_27, %mul3A_29 : vector<32x50xf32>
    %get3A_31 = arith.constant 0 : index
    %get3A_32 = arith.constant 4 : index
    %get3A_33 = arith.constant 0 : index
    %get3A_34 = vector.load %arg0[%get3A_31, %get3A_32, %get3A_33] : memref<32x7x50xf32, #tpu.memory_space<vmem>>, vector<32x1x50xf32>
    %get3A_35 = vector.shape_cast %get3A_34 : vector<32x1x50xf32> to vector<32x50xf32>
    %mul3A_36 = arith.constant 3.200000e+01 : f32
    %mul3A_37 = vector.broadcast %mul3A_36 : f32 to vector<32x50xf32>
    %mul3A_38 = arith.mulf %get3A_35, %mul3A_37 : vector<32x50xf32>
    %broadcast_in_dim3A_39 = vector.shape_cast %mul3A_30 : vector<32x50xf32> to vector<32x1x50xf32>
    %min3A = vector.broadcast %broadcast_in_dim3A : vector<1x5x1xf32> to vector<32x5x50xf32>
    %min3A_40 = vector.broadcast %broadcast_in_dim3A_39 : vector<32x1x50xf32> to vector<32x5x50xf32>
    %min3A_41 = arith.minimumf %min3A, %min3A_40 : vector<32x5x50xf32>
    %broadcast_in_dim3A_42 = vector.shape_cast %mul3A_38 : vector<32x50xf32> to vector<32x1x50xf32>
    %min3A_43 = vector.broadcast %broadcast_in_dim3A_7 : vector<1x5x1xf32> to vector<32x5x50xf32>
    %min3A_44 = vector.broadcast %broadcast_in_dim3A_42 : vector<32x1x50xf32> to vector<32x5x50xf32>
    %min3A_45 = arith.minimumf %min3A_43, %min3A_44 : vector<32x5x50xf32>
    %mul3A_46 = arith.mulf %min3A_41, %min3A_45 : vector<32x5x50xf32>
    %mul3A_47 = arith.mulf %broadcast_in_dim3A, %broadcast_in_dim3A_7 : vector<1x5x1xf32>
    %mul3A_48 = arith.mulf %mul3A_30, %mul3A_38 : vector<32x50xf32>
    %broadcast_in_dim3A_49 = vector.shape_cast %mul3A_48 : vector<32x50xf32> to vector<32x1x50xf32>
    %add3A = vector.broadcast %mul3A_47 : vector<1x5x1xf32> to vector<32x5x50xf32>
    %add3A_50 = vector.broadcast %broadcast_in_dim3A_49 : vector<32x1x50xf32> to vector<32x5x50xf32>
    %add3A_51 = arith.addf %add3A, %add3A_50 : vector<32x5x50xf32>
    %sub3A = arith.subf %add3A_51, %mul3A_46 : vector<32x5x50xf32>
    %div3A = arith.divf %mul3A_46, %sub3A : vector<32x5x50xf32>
    %reduce_max3A = arith.constant dense<0xFF800000> : vector<32x50xf32>
    %reduce_max3A_52 = vector.multi_reduction <maximumf>, %div3A, %reduce_max3A [1] : vector<32x5x50xf32> to vector<32x50xf32>
    %iota3A = tpu.iota {dimensions = array<i32: 1>} : vector<32x5x50xi32>
    %broadcast_in_dim3A_53 = vector.shape_cast %reduce_max3A_52 : vector<32x50xf32> to vector<32x1x50xf32>
    %eq3A = vector.broadcast %broadcast_in_dim3A_53 : vector<32x1x50xf32> to vector<32x5x50xf32>
    %eq3A_54 = arith.cmpf oeq, %div3A, %eq3A : vector<32x5x50xf32>
    %jit3A = arith.constant 6 : i32
    %broadcast_in_dim3A_55 = vector.broadcast %jit3A : i32 to vector<32x5x50xi32>
    %select_n3A = arith.select %eq3A_54, %iota3A, %broadcast_in_dim3A_55 : vector<32x5x50xi1>, vector<32x5x50xi32>
    %reduce_min3A = arith.constant dense<2147483647> : vector<32x50xi32>
    %reduce_min3A_56 = vector.multi_reduction <minsi>, %select_n3A, %reduce_min3A [1] : vector<32x5x50xi32> to vector<32x50xi32>
    %convert_element_type3A = arith.fptosi %mul3A_14 : vector<32x50xf32> to vector<32x50xi32>
    %convert_element_type3A_57 = arith.fptosi %mul3A_22 : vector<32x50xf32> to vector<32x50xi32>
    %mul3A_58 = arith.constant 32 : i32
    %mul3A_59 = vector.broadcast %mul3A_58 : i32 to vector<32x50xi32>
    %mul3A_60 = arith.muli %convert_element_type3A_57, %mul3A_59 : vector<32x50xi32>
    %add3A_61 = arith.addi %mul3A_60, %convert_element_type3A : vector<32x50xi32>
    %mul3A_62 = arith.constant 15360 : i32
    %mul3A_63 = vector.broadcast %mul3A_62 : i32 to vector<32x50xi32>
    %mul3A_64 = arith.muli %reduce_min3A_56, %mul3A_63 : vector<32x50xi32>
    %add3A_65 = arith.addi %mul3A_64, %add3A_61 : vector<32x50xi32>
    %convert_element_type3A_66 = arith.sitofp %add3A_65 : vector<32x50xi32> to vector<32x50xf32>
    %get3A_67 = arith.constant 0 : index
    %get3A_68 = arith.constant 0 : index
    %get3A_69 = vector.load %arg2[%get3A_67, %get3A_68] : memref<50x768xf32, #tpu.memory_space<vmem>>, vector<50x768xf32>
    %dot_general3A = arith.constant dense<0.000000e+00> : vector<32x768xf32>
    %dot_general3A_70 = tpu.matmul %convert_element_type3A_66, %get3A_69, %dot_general3A {dimension_numbers = #tpu.dot_dimension_numbers<[1], [0], [0], [1], [0, 0, 1, 1], [], []>, precision = #tpu.contract_precision<fp32>, transpose_lhs_hint = false} : vector<32x50xf32>, vector<50x768xf32>, vector<32x768xf32> -> vector<32x768xf32>
    %get3A_71 = arith.constant 0 : index
    %get3A_72 = arith.constant 0 : index
    %get3A_73 = vector.load %arg3[%get3A_71, %get3A_72] : memref<1x768xf32, #tpu.memory_space<vmem>>, vector<1x768xf32>
    %get3A_74 = vector.shape_cast %get3A_73 : vector<1x768xf32> to vector<768xf32>
    %broadcast_in_dim3A_75 = vector.shape_cast %get3A_74 : vector<768xf32> to vector<1x768xf32>
    %add3A_76 = vector.broadcast %broadcast_in_dim3A_75 : vector<1x768xf32> to vector<32x768xf32>
    %add3A_77 = arith.addf %dot_general3A_70, %add3A_76 : vector<32x768xf32>
    %add3A_78 = arith.constant 5.000000e-01 : f32
    %add3A_79 = vector.broadcast %add3A_78 : f32 to vector<32x768xf32>
    %add3A_80 = arith.addf %add3A_77, %add3A_79 : vector<32x768xf32>
    %convert_element_type3A_81 = arith.fptosi %add3A_80 : vector<32x768xf32> to vector<32x768xi32>
    %swap3A = arith.constant 0 : index
    %swap3A_82 = arith.constant 0 : index
    %swap3A_83 = vector.load %arg4[%swap3A, %swap3A_82] : memref<32x768xi32, #tpu.memory_space<vmem>>, vector<32x768xi32>
    tpu.vector_store %arg4[%swap3A, %swap3A_82], %convert_element_type3A_81 {strides = array<i32>} : memref<32x768xi32, #tpu.memory_space<vmem>>, vector<32x768xi32>,
    return
  }
}

module attributes {stable_mosaic.version = 14 : i64} {
  func.func @_dense_body(%arg0: i32, %arg1: memref<1x75x1024xf32, #tpu.memory_space<vmem>>, %arg2: memref<1x7x50xf32, #tpu.memory_space<vmem>>, %arg3: memref<2x5xf32, #tpu.memory_space<vmem>>, %arg4: memref<1x1x1xf32, #tpu.memory_space<vmem>>) attributes {dimension_semantics = [#tpu.dimension_semantics<arbitrary>], iteration_bounds = array<i64: 32>, scalar_prefetch = 0 : i64, scratch_operands = 0 : i64, tpu.core_type = #tpu.core_type<tc>, window_params = [{transform_indices = @transform_0, window_bounds = array<i64: 1, 75, 1024>}, {transform_indices = @transform_1, window_bounds = array<i64: 1, 7, 50>}, {pipeline_mode = #tpu.pipeline_mode<synchronous>, transform_indices = @transform_2, window_bounds = array<i64: 2, 5>}, {transform_indices = @transform_3, window_bounds = array<i64: 1, 1, 1>}]} {
    %get3A = arith.constant 0 : index
    %get3A_0 = arith.constant 0 : index
    %get3A_1 = arith.constant 0 : index
    %get3A_2 = vector.load %arg1[%get3A, %get3A_0, %get3A_1] : memref<1x75x1024xf32, #tpu.memory_space<vmem>>, vector<1x75x1024xf32>
    %get3A_3 = vector.shape_cast %get3A_2 : vector<1x75x1024xf32> to vector<75x1024xf32>
    %get3A_4 = arith.constant 0 : index
    %get3A_5 = arith.constant 0 : index
    %get3A_6 = arith.constant 0 : index
    %get3A_7 = vector.load %arg2[%get3A_4, %get3A_5, %get3A_6] : memref<1x7x50xf32, #tpu.memory_space<vmem>>, vector<1x7x50xf32>
    %get3A_8 = vector.shape_cast %get3A_7 : vector<1x7x50xf32> to vector<7x50xf32>
    %get3A_9 = arith.constant 0 : index
    %get3A_10 = arith.constant 0 : index
    %get3A_11 = vector.load %arg3[%get3A_9, %get3A_10] : memref<2x5xf32, #tpu.memory_space<vmem>>, vector<1x5xf32>
    %get3A_12 = vector.shape_cast %get3A_11 : vector<1x5xf32> to vector<5xf32>
    %get3A_13 = arith.constant 1 : index
    %get3A_14 = arith.constant 0 : index
    %get3A_15 = vector.load %arg3[%get3A_13, %get3A_14] : memref<2x5xf32, #tpu.memory_space<vmem>>, vector<1x5xf32>
    %get3A_16 = vector.shape_cast %get3A_15 : vector<1x5xf32> to vector<5xf32>
    %reshape3A = vector.shape_cast %get3A_3 : vector<75x1024xf32> to vector<5x15x1024xf32>
    %slice3A = vector.extract_strided_slice %reshape3A {offsets = [0, 0, 0], sizes = [5, 1, 1024], strides = [1, 1, 1]} : vector<5x15x1024xf32> to vector<5x1x1024xf32>
    %squeeze3A = vector.shape_cast %slice3A : vector<5x1x1024xf32> to vector<5x1024xf32>
    %logistic3A = arith.negf %squeeze3A : vector<5x1024xf32>
    %logistic3A_17 = math.exp %logistic3A : vector<5x1024xf32>
    %logistic3A_18 = arith.constant 1.000000e+00 : f32
    %logistic3A_19 = vector.broadcast %logistic3A_18 : f32 to vector<5x1024xf32>
    %logistic3A_20 = arith.addf %logistic3A_19, %logistic3A_17 : vector<5x1024xf32>
    %logistic3A_21 = arith.divf %logistic3A_19, %logistic3A_20 : vector<5x1024xf32>
    %slice3A_22 = vector.extract_strided_slice %reshape3A {offsets = [0, 1, 0], sizes = [5, 1, 1024], strides = [1, 1, 1]} : vector<5x15x1024xf32> to vector<5x1x1024xf32>
    %squeeze3A_23 = vector.shape_cast %slice3A_22 : vector<5x1x1024xf32> to vector<5x1024xf32>
    %logistic3A_24 = arith.negf %squeeze3A_23 : vector<5x1024xf32>
    %logistic3A_25 = math.exp %logistic3A_24 : vector<5x1024xf32>
    %logistic3A_26 = arith.constant 1.000000e+00 : f32
    %logistic3A_27 = vector.broadcast %logistic3A_26 : f32 to vector<5x1024xf32>
    %logistic3A_28 = arith.addf %logistic3A_27, %logistic3A_25 : vector<5x1024xf32>
    %logistic3A_29 = arith.divf %logistic3A_27, %logistic3A_28 : vector<5x1024xf32>
    %slice3A_30 = vector.extract_strided_slice %reshape3A {offsets = [0, 6, 0], sizes = [5, 1, 1024], strides = [1, 1, 1]} : vector<5x15x1024xf32> to vector<5x1x1024xf32>
    %squeeze3A_31 = vector.shape_cast %slice3A_30 : vector<5x1x1024xf32> to vector<5x1024xf32>
    %logistic3A_32 = arith.negf %squeeze3A_31 : vector<5x1024xf32>
    %logistic3A_33 = math.exp %logistic3A_32 : vector<5x1024xf32>
    %logistic3A_34 = arith.constant 1.000000e+00 : f32
    %logistic3A_35 = vector.broadcast %logistic3A_34 : f32 to vector<5x1024xf32>
    %logistic3A_36 = arith.addf %logistic3A_35, %logistic3A_33 : vector<5x1024xf32>
    %logistic3A_37 = arith.divf %logistic3A_35, %logistic3A_36 : vector<5x1024xf32>
    %iota3A = tpu.iota {dimensions = array<i32: 1>} : vector<5x1024xi32>
    %and3A = arith.constant 31 : i32
    %and3A_38 = vector.broadcast %and3A : i32 to vector<5x1024xi32>
    %and3A_39 = arith.andi %iota3A, %and3A_38 : vector<5x1024xi32>
    %convert_element_type3A = arith.sitofp %and3A_39 : vector<5x1024xi32> to vector<5x1024xf32>
    %shift_right_arithmetic3A = arith.constant 5 : i32
    %shift_right_arithmetic3A_40 = vector.broadcast %shift_right_arithmetic3A : i32 to vector<5x1024xi32>
    %shift_right_arithmetic3A_41 = arith.shrsi %iota3A, %shift_right_arithmetic3A_40 : vector<5x1024xi32>
    %convert_element_type3A_42 = arith.sitofp %shift_right_arithmetic3A_41 : vector<5x1024xi32> to vector<5x1024xf32>
    %add3A = arith.addf %logistic3A_21, %convert_element_type3A : vector<5x1024xf32>
    %add3A_43 = arith.addf %logistic3A_29, %convert_element_type3A_42 : vector<5x1024xf32>
    %slice3A_44 = vector.extract_strided_slice %reshape3A {offsets = [0, 2, 0], sizes = [5, 1, 1024], strides = [1, 1, 1]} : vector<5x15x1024xf32> to vector<5x1x1024xf32>
    %squeeze3A_45 = vector.shape_cast %slice3A_44 : vector<5x1x1024xf32> to vector<5x1024xf32>
    %exp3A = math.exp %squeeze3A_45 : vector<5x1024xf32>
    %broadcast_in_dim3A = vector.shape_cast %get3A_12 : vector<5xf32> to vector<5x1xf32>
    %mul3A = vector.broadcast %broadcast_in_dim3A : vector<5x1xf32> to vector<5x1024xf32>
    %mul3A_46 = arith.mulf %exp3A, %mul3A : vector<5x1024xf32>
    %slice3A_47 = vector.extract_strided_slice %reshape3A {offsets = [0, 3, 0], sizes = [5, 1, 1024], strides = [1, 1, 1]} : vector<5x15x1024xf32> to vector<5x1x1024xf32>
    %squeeze3A_48 = vector.shape_cast %slice3A_47 : vector<5x1x1024xf32> to vector<5x1024xf32>
    %exp3A_49 = math.exp %squeeze3A_48 : vector<5x1024xf32>
    %broadcast_in_dim3A_50 = vector.shape_cast %get3A_16 : vector<5xf32> to vector<5x1xf32>
    %mul3A_51 = vector.broadcast %broadcast_in_dim3A_50 : vector<5x1xf32> to vector<5x1024xf32>
    %mul3A_52 = arith.mulf %exp3A_49, %mul3A_51 : vector<5x1024xf32>
    %mul3A_53 = arith.constant 5.000000e-01 : f32
    %mul3A_54 = vector.broadcast %mul3A_53 : f32 to vector<5x1024xf32>
    %mul3A_55 = arith.mulf %mul3A_46, %mul3A_54 : vector<5x1024xf32>
    %sub3A = arith.subf %add3A, %mul3A_55 : vector<5x1024xf32>
    %mul3A_56 = arith.constant 5.000000e-01 : f32
    %mul3A_57 = vector.broadcast %mul3A_56 : f32 to vector<5x1024xf32>
    %mul3A_58 = arith.mulf %mul3A_46, %mul3A_57 : vector<5x1024xf32>
    %add3A_59 = arith.addf %add3A, %mul3A_58 : vector<5x1024xf32>
    %mul3A_60 = arith.constant 5.000000e-01 : f32
    %mul3A_61 = vector.broadcast %mul3A_60 : f32 to vector<5x1024xf32>
    %mul3A_62 = arith.mulf %mul3A_52, %mul3A_61 : vector<5x1024xf32>
    %sub3A_63 = arith.subf %add3A_43, %mul3A_62 : vector<5x1024xf32>
    %mul3A_64 = arith.constant 5.000000e-01 : f32
    %mul3A_65 = vector.broadcast %mul3A_64 : f32 to vector<5x1024xf32>
    %mul3A_66 = arith.mulf %mul3A_52, %mul3A_65 : vector<5x1024xf32>
    %add3A_67 = arith.addf %add3A_43, %mul3A_66 : vector<5x1024xf32>
    %mul3A_68 = arith.mulf %mul3A_46, %mul3A_52 : vector<5x1024xf32>
    %slice3A_69 = vector.extract_strided_slice %get3A_8 {offsets = [1, 0], sizes = [1, 50], strides = [1, 1]} : vector<7x50xf32> to vector<1x50xf32>
    %squeeze3A_70 = vector.shape_cast %slice3A_69 : vector<1x50xf32> to vector<50xf32>
    %mul3A_71 = arith.constant 3.200000e+01 : f32
    %mul3A_72 = vector.broadcast %mul3A_71 : f32 to vector<50xf32>
    %mul3A_73 = arith.mulf %squeeze3A_70, %mul3A_72 : vector<50xf32>
    %slice3A_74 = vector.extract_strided_slice %get3A_8 {offsets = [2, 0], sizes = [1, 50], strides = [1, 1]} : vector<7x50xf32> to vector<1x50xf32>
    %squeeze3A_75 = vector.shape_cast %slice3A_74 : vector<1x50xf32> to vector<50xf32>
    %mul3A_76 = arith.constant 3.200000e+01 : f32
    %mul3A_77 = vector.broadcast %mul3A_76 : f32 to vector<50xf32>
    %mul3A_78 = arith.mulf %squeeze3A_75, %mul3A_77 : vector<50xf32>
    %slice3A_79 = vector.extract_strided_slice %get3A_8 {offsets = [3, 0], sizes = [1, 50], strides = [1, 1]} : vector<7x50xf32> to vector<1x50xf32>
    %squeeze3A_80 = vector.shape_cast %slice3A_79 : vector<1x50xf32> to vector<50xf32>
    %mul3A_81 = arith.constant 3.200000e+01 : f32
    %mul3A_82 = vector.broadcast %mul3A_81 : f32 to vector<50xf32>
    %mul3A_83 = arith.mulf %squeeze3A_80, %mul3A_82 : vector<50xf32>
    %slice3A_84 = vector.extract_strided_slice %get3A_8 {offsets = [4, 0], sizes = [1, 50], strides = [1, 1]} : vector<7x50xf32> to vector<1x50xf32>
    %squeeze3A_85 = vector.shape_cast %slice3A_84 : vector<1x50xf32> to vector<50xf32>
    %mul3A_86 = arith.constant 3.200000e+01 : f32
    %mul3A_87 = vector.broadcast %mul3A_86 : f32 to vector<50xf32>
    %mul3A_88 = arith.mulf %squeeze3A_85, %mul3A_87 : vector<50xf32>
    %mul3A_89 = arith.constant 5.000000e-01 : f32
    %mul3A_90 = vector.broadcast %mul3A_89 : f32 to vector<50xf32>
    %mul3A_91 = arith.mulf %mul3A_83, %mul3A_90 : vector<50xf32>
    %sub3A_92 = arith.subf %mul3A_73, %mul3A_91 : vector<50xf32>
    %mul3A_93 = arith.constant 5.000000e-01 : f32
    %mul3A_94 = vector.broadcast %mul3A_93 : f32 to vector<50xf32>
    %mul3A_95 = arith.mulf %mul3A_83, %mul3A_94 : vector<50xf32>
    %add3A_96 = arith.addf %mul3A_73, %mul3A_95 : vector<50xf32>
    %mul3A_97 = arith.constant 5.000000e-01 : f32
    %mul3A_98 = vector.broadcast %mul3A_97 : f32 to vector<50xf32>
    %mul3A_99 = arith.mulf %mul3A_88, %mul3A_98 : vector<50xf32>
    %sub3A_100 = arith.subf %mul3A_78, %mul3A_99 : vector<50xf32>
    %mul3A_101 = arith.constant 5.000000e-01 : f32
    %mul3A_102 = vector.broadcast %mul3A_101 : f32 to vector<50xf32>
    %mul3A_103 = arith.mulf %mul3A_88, %mul3A_102 : vector<50xf32>
    %add3A_104 = arith.addf %mul3A_78, %mul3A_103 : vector<50xf32>
    %mul3A_105 = arith.mulf %mul3A_83, %mul3A_88 : vector<50xf32>
    %iota3A_106 = tpu.iota {dimensions = array<i32: 0>} : vector<50x50xi32>
    %iota3A_107 = tpu.iota {dimensions = array<i32: 1>} : vector<50x50xi32>
    %le3A = arith.cmpi sle, %iota3A_107, %iota3A_106 : vector<50x50xi32>
    %slice3A_108 = vector.extract_strided_slice %get3A_8 {offsets = [1, 0], sizes = [1, 50], strides = [1, 1]} : vector<7x50xf32> to vector<1x50xf32>
    %squeeze3A_109 = vector.shape_cast %slice3A_108 : vector<1x50xf32> to vector<50xf32>
    %eq3A = arith.constant 0.000000e+00 : f32
    %eq3A_110 = vector.broadcast %eq3A : f32 to vector<50xf32>
    %eq3A_111 = arith.cmpf oeq, %squeeze3A_109, %eq3A_110 : vector<50xf32>
    %broadcast_in_dim3A_112 = vector.shape_cast %eq3A_111 : vector<50xi1> to vector<1x50xi1>
    %and3A_113 = vector.broadcast %broadcast_in_dim3A_112 : vector<1x50xi1> to vector<50x50xi1>
    %and3A_114 = arith.andi %le3A, %and3A_113 : vector<50x50xi1>
    %reduce_or3A = arith.constant 1.000000e+00 : f32
    %reduce_or3A_115 = arith.constant 0.000000e+00 : f32
    %reduce_or3A_116 = vector.broadcast %reduce_or3A : f32 to vector<50x50xf32>
    %reduce_or3A_117 = vector.broadcast %reduce_or3A_115 : f32 to vector<50x50xf32>
    %reduce_or3A_118 = arith.select %and3A_114, %reduce_or3A_116, %reduce_or3A_117 : vector<50x50xi1>, vector<50x50xf32>
    %reduce_or3A_119 = arith.constant dense<0xFF800000> : vector<50xf32>
    %reduce_or3A_120 = vector.multi_reduction <maximumf>, %reduce_or3A_118, %reduce_or3A_119 [1] : vector<50x50xf32> to vector<50xf32>
    %reduce_or3A_121 = arith.constant 0.000000e+00 : f32
    %reduce_or3A_122 = vector.broadcast %reduce_or3A_121 : f32 to vector<50xf32>
    %reduce_or3A_123 = arith.cmpf ogt, %reduce_or3A_120, %reduce_or3A_122 : vector<50xf32>
    %not3A = arith.constant dense<true> : vector<50xi1>
    %not3A_124 = arith.xori %reduce_or3A_123, %not3A : vector<50xi1>
    %mul3A_125 = arith.constant 3.750000e-01 : f32
    %mul3A_126 = vector.broadcast %mul3A_125 : f32 to vector<50xf32>
    %mul3A_127 = arith.mulf %mul3A_126, %mul3A_105 : vector<50xf32>
    %jit3A = arith.constant 1.000000e+30 : f32
    %broadcast_in_dim3A_128 = vector.broadcast %jit3A : f32 to vector<50xf32>
    %select_n3A = arith.select %not3A_124, %mul3A_127, %broadcast_in_dim3A_128 : vector<50xi1>, vector<50xf32>
    %broadcast_in_dim3A_129 = arith.constant -1.000000e+30 : f32
    %broadcast_in_dim3A_130 = vector.broadcast %broadcast_in_dim3A_129 : f32 to vector<5x1024xf32>
    %broadcast_in_dim3A_131 = vector.shape_cast %add3A_59 : vector<5x1024xf32> to vector<1x5x1024xf32>
    %slice3A_132 = vector.extract_strided_slice %add3A_96 {offsets = [0], sizes = [10], strides = [1]} : vector<50xf32> to vector<10xf32>
    %broadcast_in_dim3A_133 = vector.shape_cast %slice3A_132 : vector<10xf32> to vector<10x1x1xf32>
    %min3A = vector.broadcast %broadcast_in_dim3A_131 : vector<1x5x1024xf32> to vector<10x5x1024xf32>
    %min3A_134 = vector.broadcast %broadcast_in_dim3A_133 : vector<10x1x1xf32> to vector<10x5x1024xf32>
    %min3A_135 = arith.minimumf %min3A, %min3A_134 : vector<10x5x1024xf32>
    %broadcast_in_dim3A_136 = vector.shape_cast %sub3A : vector<5x1024xf32> to vector<1x5x1024xf32>
    %slice3A_137 = vector.extract_strided_slice %sub3A_92 {offsets = [0], sizes = [10], strides = [1]} : vector<50xf32> to vector<10xf32>
    %broadcast_in_dim3A_138 = vector.shape_cast %slice3A_137 : vector<10xf32> to vector<10x1x1xf32>
    %max3A = vector.broadcast %broadcast_in_dim3A_136 : vector<1x5x1024xf32> to vector<10x5x1024xf32>
    %max3A_139 = vector.broadcast %broadcast_in_dim3A_138 : vector<10x1x1xf32> to vector<10x5x1024xf32>
    %max3A_140 = arith.maximumf %max3A, %max3A_139 : vector<10x5x1024xf32>
    %sub3A_141 = arith.subf %min3A_135, %max3A_140 : vector<10x5x1024xf32>
    %broadcast_in_dim3A_142 = vector.shape_cast %add3A_67 : vector<5x1024xf32> to vector<1x5x1024xf32>
    %slice3A_143 = vector.extract_strided_slice %add3A_104 {offsets = [0], sizes = [10], strides = [1]} : vector<50xf32> to vector<10xf32>
    %broadcast_in_dim3A_144 = vector.shape_cast %slice3A_143 : vector<10xf32> to vector<10x1x1xf32>
    %min3A_145 = vector.broadcast %broadcast_in_dim3A_142 : vector<1x5x1024xf32> to vector<10x5x1024xf32>
    %min3A_146 = vector.broadcast %broadcast_in_dim3A_144 : vector<10x1x1xf32> to vector<10x5x1024xf32>
    %min3A_147 = arith.minimumf %min3A_145, %min3A_146 : vector<10x5x1024xf32>
    %broadcast_in_dim3A_148 = vector.shape_cast %sub3A_63 : vector<5x1024xf32> to vector<1x5x1024xf32>
    %slice3A_149 = vector.extract_strided_slice %sub3A_100 {offsets = [0], sizes = [10], strides = [1]} : vector<50xf32> to vector<10xf32>
    %broadcast_in_dim3A_150 = vector.shape_cast %slice3A_149 : vector<10xf32> to vector<10x1x1xf32>
    %max3A_151 = vector.broadcast %broadcast_in_dim3A_148 : vector<1x5x1024xf32> to vector<10x5x1024xf32>
    %max3A_152 = vector.broadcast %broadcast_in_dim3A_150 : vector<10x1x1xf32> to vector<10x5x1024xf32>
    %max3A_153 = arith.maximumf %max3A_151, %max3A_152 : vector<10x5x1024xf32>
    %sub3A_154 = arith.subf %min3A_147, %max3A_153 : vector<10x5x1024xf32>
    %max3A_155 = arith.constant 0.000000e+00 : f32
    %max3A_156 = vector.broadcast %max3A_155 : f32 to vector<10x5x1024xf32>
    %max3A_157 = arith.maximumf %sub3A_141, %max3A_156 : vector<10x5x1024xf32>
    %max3A_158 = arith.constant 0.000000e+00 : f32
    %max3A_159 = vector.broadcast %max3A_158 : f32 to vector<10x5x1024xf32>
    %max3A_160 = arith.maximumf %sub3A_154, %max3A_159 : vector<10x5x1024xf32>
    %mul3A_161 = arith.mulf %max3A_157, %max3A_160 : vector<10x5x1024xf32>
    %slice3A_162 = vector.extract_strided_slice %select_n3A {offsets = [0], sizes = [10], strides = [1]} : vector<50xf32> to vector<10xf32>
    %broadcast_in_dim3A_163 = vector.shape_cast %slice3A_162 : vector<10xf32> to vector<10x1x1xf32>
    %sub3A_164 = vector.broadcast %broadcast_in_dim3A_163 : vector<10x1x1xf32> to vector<10x5x1024xf32>
    %sub3A_165 = arith.subf %mul3A_161, %sub3A_164 : vector<10x5x1024xf32>
    %reduce_max3A = arith.constant dense<0xFF800000> : vector<5x1024xf32>
    %reduce_max3A_166 = vector.multi_reduction <maximumf>, %sub3A_165, %reduce_max3A [0] : vector<10x5x1024xf32> to vector<5x1024xf32>
    %max3A_167 = arith.maximumf %broadcast_in_dim3A_130, %reduce_max3A_166 : vector<5x1024xf32>
    %broadcast_in_dim3A_168 = vector.shape_cast %add3A_59 : vector<5x1024xf32> to vector<1x5x1024xf32>
    %slice3A_169 = vector.extract_strided_slice %add3A_96 {offsets = [10], sizes = [10], strides = [1]} : vector<50xf32> to vector<10xf32>
    %broadcast_in_dim3A_170 = vector.shape_cast %slice3A_169 : vector<10xf32> to vector<10x1x1xf32>
    %min3A_171 = vector.broadcast %broadcast_in_dim3A_168 : vector<1x5x1024xf32> to vector<10x5x1024xf32>
    %min3A_172 = vector.broadcast %broadcast_in_dim3A_170 : vector<10x1x1xf32> to vector<10x5x1024xf32>
    %min3A_173 = arith.minimumf %min3A_171, %min3A_172 : vector<10x5x1024xf32>
    %broadcast_in_dim3A_174 = vector.shape_cast %sub3A : vector<5x1024xf32> to vector<1x5x1024xf32>
    %slice3A_175 = vector.extract_strided_slice %sub3A_92 {offsets = [10], sizes = [10], strides = [1]} : vector<50xf32> to vector<10xf32>
    %broadcast_in_dim3A_176 = vector.shape_cast %slice3A_175 : vector<10xf32> to vector<10x1x1xf32>
    %max3A_177 = vector.broadcast %broadcast_in_dim3A_174 : vector<1x5x1024xf32> to vector<10x5x1024xf32>
    %max3A_178 = vector.broadcast %broadcast_in_dim3A_176 : vector<10x1x1xf32> to vector<10x5x1024xf32>
    %max3A_179 = arith.maximumf %max3A_177, %max3A_178 : vector<10x5x1024xf32>
    %sub3A_180 = arith.subf %min3A_173, %max3A_179 : vector<10x5x1024xf32>
    %broadcast_in_dim3A_181 = vector.shape_cast %add3A_67 : vector<5x1024xf32> to vector<1x5x1024xf32>
    %slice3A_182 = vector.extract_strided_slice %add3A_104 {offsets = [10], sizes = [10], strides = [1]} : vector<50xf32> to vector<10xf32>
    %broadcast_in_dim3A_183 = vector.shape_cast %slice3A_182 : vector<10xf32> to vector<10x1x1xf32>
    %min3A_184 = vector.broadcast %broadcast_in_dim3A_181 : vector<1x5x1024xf32> to vector<10x5x1024xf32>
    %min3A_185 = vector.broadcast %broadcast_in_dim3A_183 : vector<10x1x1xf32> to vector<10x5x1024xf32>
    %min3A_186 = arith.minimumf %min3A_184, %min3A_185 : vector<10x5x1024xf32>
    %broadcast_in_dim3A_187 = vector.shape_cast %sub3A_63 : vector<5x1024xf32> to vector<1x5x1024xf32>
    %slice3A_188 = vector.extract_strided_slice %sub3A_100 {offsets = [10], sizes = [10], strides = [1]} : vector<50xf32> to vector<10xf32>
    %broadcast_in_dim3A_189 = vector.shape_cast %slice3A_188 : vector<10xf32> to vector<10x1x1xf32>
    %max3A_190 = vector.broadcast %broadcast_in_dim3A_187 : vector<1x5x1024xf32> to vector<10x5x1024xf32>
    %max3A_191 = vector.broadcast %broadcast_in_dim3A_189 : vector<10x1x1xf32> to vector<10x5x1024xf32>
    %max3A_192 = arith.maximumf %max3A_190, %max3A_191 : vector<10x5x1024xf32>
    %sub3A_193 = arith.subf %min3A_186, %max3A_192 : vector<10x5x1024xf32>
    %max3A_194 = arith.constant 0.000000e+00 : f32
    %max3A_195 = vector.broadcast %max3A_194 : f32 to vector<10x5x1024xf32>
    %max3A_196 = arith.maximumf %sub3A_180, %max3A_195 : vector<10x5x1024xf32>
    %max3A_197 = arith.constant 0.000000e+00 : f32
    %max3A_198 = vector.broadcast %max3A_197 : f32 to vector<10x5x1024xf32>
    %max3A_199 = arith.maximumf %sub3A_193, %max3A_198 : vector<10x5x1024xf32>
    %mul3A_200 = arith.mulf %max3A_196, %max3A_199 : vector<10x5x1024xf32>
    %slice3A_201 = vector.extract_strided_slice %select_n3A {offsets = [10], sizes = [10], strides = [1]} : vector<50xf32> to vector<10xf32>
    %broadcast_in_dim3A_202 = vector.shape_cast %slice3A_201 : vector<10xf32> to vector<10x1x1xf32>
    %sub3A_203 = vector.broadcast %broadcast_in_dim3A_202 : vector<10x1x1xf32> to vector<10x5x1024xf32>
    %sub3A_204 = arith.subf %mul3A_200, %sub3A_203 : vector<10x5x1024xf32>
    %reduce_max3A_205 = arith.constant dense<0xFF800000> : vector<5x1024xf32>
    %reduce_max3A_206 = vector.multi_reduction <maximumf>, %sub3A_204, %reduce_max3A_205 [0] : vector<10x5x1024xf32> to vector<5x1024xf32>
    %max3A_207 = arith.maximumf %max3A_167, %reduce_max3A_206 : vector<5x1024xf32>
    %broadcast_in_dim3A_208 = vector.shape_cast %add3A_59 : vector<5x1024xf32> to vector<1x5x1024xf32>
    %slice3A_209 = vector.extract_strided_slice %add3A_96 {offsets = [20], sizes = [10], strides = [1]} : vector<50xf32> to vector<10xf32>
    %broadcast_in_dim3A_210 = vector.shape_cast %slice3A_209 : vector<10xf32> to vector<10x1x1xf32>
    %min3A_211 = vector.broadcast %broadcast_in_dim3A_208 : vector<1x5x1024xf32> to vector<10x5x1024xf32>
    %min3A_212 = vector.broadcast %broadcast_in_dim3A_210 : vector<10x1x1xf32> to vector<10x5x1024xf32>
    %min3A_213 = arith.minimumf %min3A_211, %min3A_212 : vector<10x5x1024xf32>
    %broadcast_in_dim3A_214 = vector.shape_cast %sub3A : vector<5x1024xf32> to vector<1x5x1024xf32>
    %slice3A_215 = vector.extract_strided_slice %sub3A_92 {offsets = [20], sizes = [10], strides = [1]} : vector<50xf32> to vector<10xf32>
    %broadcast_in_dim3A_216 = vector.shape_cast %slice3A_215 : vector<10xf32> to vector<10x1x1xf32>
    %max3A_217 = vector.broadcast %broadcast_in_dim3A_214 : vector<1x5x1024xf32> to vector<10x5x1024xf32>
    %max3A_218 = vector.broadcast %broadcast_in_dim3A_216 : vector<10x1x1xf32> to vector<10x5x1024xf32>
    %max3A_219 = arith.maximumf %max3A_217, %max3A_218 : vector<10x5x1024xf32>
    %sub3A_220 = arith.subf %min3A_213, %max3A_219 : vector<10x5x1024xf32>
    %broadcast_in_dim3A_221 = vector.shape_cast %add3A_67 : vector<5x1024xf32> to vector<1x5x1024xf32>
    %slice3A_222 = vector.extract_strided_slice %add3A_104 {offsets = [20], sizes = [10], strides = [1]} : vector<50xf32> to vector<10xf32>
    %broadcast_in_dim3A_223 = vector.shape_cast %slice3A_222 : vector<10xf32> to vector<10x1x1xf32>
    %min3A_224 = vector.broadcast %broadcast_in_dim3A_221 : vector<1x5x1024xf32> to vector<10x5x1024xf32>
    %min3A_225 = vector.broadcast %broadcast_in_dim3A_223 : vector<10x1x1xf32> to vector<10x5x1024xf32>
    %min3A_226 = arith.minimumf %min3A_224, %min3A_225 : vector<10x5x1024xf32>
    %broadcast_in_dim3A_227 = vector.shape_cast %sub3A_63 : vector<5x1024xf32> to vector<1x5x1024xf32>
    %slice3A_228 = vector.extract_strided_slice %sub3A_100 {offsets = [20], sizes = [10], strides = [1]} : vector<50xf32> to vector<10xf32>
    %broadcast_in_dim3A_229 = vector.shape_cast %slice3A_228 : vector<10xf32> to vector<10x1x1xf32>
    %max3A_230 = vector.broadcast %broadcast_in_dim3A_227 : vector<1x5x1024xf32> to vector<10x5x1024xf32>
    %max3A_231 = vector.broadcast %broadcast_in_dim3A_229 : vector<10x1x1xf32> to vector<10x5x1024xf32>
    %max3A_232 = arith.maximumf %max3A_230, %max3A_231 : vector<10x5x1024xf32>
    %sub3A_233 = arith.subf %min3A_226, %max3A_232 : vector<10x5x1024xf32>
    %max3A_234 = arith.constant 0.000000e+00 : f32
    %max3A_235 = vector.broadcast %max3A_234 : f32 to vector<10x5x1024xf32>
    %max3A_236 = arith.maximumf %sub3A_220, %max3A_235 : vector<10x5x1024xf32>
    %max3A_237 = arith.constant 0.000000e+00 : f32
    %max3A_238 = vector.broadcast %max3A_237 : f32 to vector<10x5x1024xf32>
    %max3A_239 = arith.maximumf %sub3A_233, %max3A_238 : vector<10x5x1024xf32>
    %mul3A_240 = arith.mulf %max3A_236, %max3A_239 : vector<10x5x1024xf32>
    %slice3A_241 = vector.extract_strided_slice %select_n3A {offsets = [20], sizes = [10], strides = [1]} : vector<50xf32> to vector<10xf32>
    %broadcast_in_dim3A_242 = vector.shape_cast %slice3A_241 : vector<10xf32> to vector<10x1x1xf32>
    %sub3A_243 = vector.broadcast %broadcast_in_dim3A_242 : vector<10x1x1xf32> to vector<10x5x1024xf32>
    %sub3A_244 = arith.subf %mul3A_240, %sub3A_243 : vector<10x5x1024xf32>
    %reduce_max3A_245 = arith.constant dense<0xFF800000> : vector<5x1024xf32>
    %reduce_max3A_246 = vector.multi_reduction <maximumf>, %sub3A_244, %reduce_max3A_245 [0] : vector<10x5x1024xf32> to vector<5x1024xf32>
    %max3A_247 = arith.maximumf %max3A_207, %reduce_max3A_246 : vector<5x1024xf32>
    %broadcast_in_dim3A_248 = vector.shape_cast %add3A_59 : vector<5x1024xf32> to vector<1x5x1024xf32>
    %slice3A_249 = vector.extract_strided_slice %add3A_96 {offsets = [30], sizes = [10], strides = [1]} : vector<50xf32> to vector<10xf32>
    %broadcast_in_dim3A_250 = vector.shape_cast %slice3A_249 : vector<10xf32> to vector<10x1x1xf32>
    %min3A_251 = vector.broadcast %broadcast_in_dim3A_248 : vector<1x5x1024xf32> to vector<10x5x1024xf32>
    %min3A_252 = vector.broadcast %broadcast_in_dim3A_250 : vector<10x1x1xf32> to vector<10x5x1024xf32>
    %min3A_253 = arith.minimumf %min3A_251, %min3A_252 : vector<10x5x1024xf32>
    %broadcast_in_dim3A_254 = vector.shape_cast %sub3A : vector<5x1024xf32> to vector<1x5x1024xf32>
    %slice3A_255 = vector.extract_strided_slice %sub3A_92 {offsets = [30], sizes = [10], strides = [1]} : vector<50xf32> to vector<10xf32>
    %broadcast_in_dim3A_256 = vector.shape_cast %slice3A_255 : vector<10xf32> to vector<10x1x1xf32>
    %max3A_257 = vector.broadcast %broadcast_in_dim3A_254 : vector<1x5x1024xf32> to vector<10x5x1024xf32>
    %max3A_258 = vector.broadcast %broadcast_in_dim3A_256 : vector<10x1x1xf32> to vector<10x5x1024xf32>
    %max3A_259 = arith.maximumf %max3A_257, %max3A_258 : vector<10x5x1024xf32>
    %sub3A_260 = arith.subf %min3A_253, %max3A_259 : vector<10x5x1024xf32>
    %broadcast_in_dim3A_261 = vector.shape_cast %add3A_67 : vector<5x1024xf32> to vector<1x5x1024xf32>
    %slice3A_262 = vector.extract_strided_slice %add3A_104 {offsets = [30], sizes = [10], strides = [1]} : vector<50xf32> to vector<10xf32>
    %broadcast_in_dim3A_263 = vector.shape_cast %slice3A_262 : vector<10xf32> to vector<10x1x1xf32>
    %min3A_264 = vector.broadcast %broadcast_in_dim3A_261 : vector<1x5x1024xf32> to vector<10x5x1024xf32>
    %min3A_265 = vector.broadcast %broadcast_in_dim3A_263 : vector<10x1x1xf32> to vector<10x5x1024xf32>
    %min3A_266 = arith.minimumf %min3A_264, %min3A_265 : vector<10x5x1024xf32>
    %broadcast_in_dim3A_267 = vector.shape_cast %sub3A_63 : vector<5x1024xf32> to vector<1x5x1024xf32>
    %slice3A_268 = vector.extract_strided_slice %sub3A_100 {offsets = [30], sizes = [10], strides = [1]} : vector<50xf32> to vector<10xf32>
    %broadcast_in_dim3A_269 = vector.shape_cast %slice3A_268 : vector<10xf32> to vector<10x1x1xf32>
    %max3A_270 = vector.broadcast %broadcast_in_dim3A_267 : vector<1x5x1024xf32> to vector<10x5x1024xf32>
    %max3A_271 = vector.broadcast %broadcast_in_dim3A_269 : vector<10x1x1xf32> to vector<10x5x1024xf32>
    %max3A_272 = arith.maximumf %max3A_270, %max3A_271 : vector<10x5x1024xf32>
    %sub3A_273 = arith.subf %min3A_266, %max3A_272 : vector<10x5x1024xf32>
    %max3A_274 = arith.constant 0.000000e+00 : f32
    %max3A_275 = vector.broadcast %max3A_274 : f32 to vector<10x5x1024xf32>
    %max3A_276 = arith.maximumf %sub3A_260, %max3A_275 : vector<10x5x1024xf32>
    %max3A_277 = arith.constant 0.000000e+00 : f32
    %max3A_278 = vector.broadcast %max3A_277 : f32 to vector<10x5x1024xf32>
    %max3A_279 = arith.maximumf %sub3A_273, %max3A_278 : vector<10x5x1024xf32>
    %mul3A_280 = arith.mulf %max3A_276, %max3A_279 : vector<10x5x1024xf32>
    %slice3A_281 = vector.extract_strided_slice %select_n3A {offsets = [30], sizes = [10], strides = [1]} : vector<50xf32> to vector<10xf32>
    %broadcast_in_dim3A_282 = vector.shape_cast %slice3A_281 : vector<10xf32> to vector<10x1x1xf32>
    %sub3A_283 = vector.broadcast %broadcast_in_dim3A_282 : vector<10x1x1xf32> to vector<10x5x1024xf32>
    %sub3A_284 = arith.subf %mul3A_280, %sub3A_283 : vector<10x5x1024xf32>
    %reduce_max3A_285 = arith.constant dense<0xFF800000> : vector<5x1024xf32>
    %reduce_max3A_286 = vector.multi_reduction <maximumf>, %sub3A_284, %reduce_max3A_285 [0] : vector<10x5x1024xf32> to vector<5x1024xf32>
    %max3A_287 = arith.maximumf %max3A_247, %reduce_max3A_286 : vector<5x1024xf32>
    %broadcast_in_dim3A_288 = vector.shape_cast %add3A_59 : vector<5x1024xf32> to vector<1x5x1024xf32>
    %slice3A_289 = vector.extract_strided_slice %add3A_96 {offsets = [40], sizes = [10], strides = [1]} : vector<50xf32> to vector<10xf32>
    %broadcast_in_dim3A_290 = vector.shape_cast %slice3A_289 : vector<10xf32> to vector<10x1x1xf32>
    %min3A_291 = vector.broadcast %broadcast_in_dim3A_288 : vector<1x5x1024xf32> to vector<10x5x1024xf32>
    %min3A_292 = vector.broadcast %broadcast_in_dim3A_290 : vector<10x1x1xf32> to vector<10x5x1024xf32>
    %min3A_293 = arith.minimumf %min3A_291, %min3A_292 : vector<10x5x1024xf32>
    %broadcast_in_dim3A_294 = vector.shape_cast %sub3A : vector<5x1024xf32> to vector<1x5x1024xf32>
    %slice3A_295 = vector.extract_strided_slice %sub3A_92 {offsets = [40], sizes = [10], strides = [1]} : vector<50xf32> to vector<10xf32>
    %broadcast_in_dim3A_296 = vector.shape_cast %slice3A_295 : vector<10xf32> to vector<10x1x1xf32>
    %max3A_297 = vector.broadcast %broadcast_in_dim3A_294 : vector<1x5x1024xf32> to vector<10x5x1024xf32>
    %max3A_298 = vector.broadcast %broadcast_in_dim3A_296 : vector<10x1x1xf32> to vector<10x5x1024xf32>
    %max3A_299 = arith.maximumf %max3A_297, %max3A_298 : vector<10x5x1024xf32>
    %sub3A_300 = arith.subf %min3A_293, %max3A_299 : vector<10x5x1024xf32>
    %broadcast_in_dim3A_301 = vector.shape_cast %add3A_67 : vector<5x1024xf32> to vector<1x5x1024xf32>
    %slice3A_302 = vector.extract_strided_slice %add3A_104 {offsets = [40], sizes = [10], strides = [1]} : vector<50xf32> to vector<10xf32>
    %broadcast_in_dim3A_303 = vector.shape_cast %slice3A_302 : vector<10xf32> to vector<10x1x1xf32>
    %min3A_304 = vector.broadcast %broadcast_in_dim3A_301 : vector<1x5x1024xf32> to vector<10x5x1024xf32>
    %min3A_305 = vector.broadcast %broadcast_in_dim3A_303 : vector<10x1x1xf32> to vector<10x5x1024xf32>
    %min3A_306 = arith.minimumf %min3A_304, %min3A_305 : vector<10x5x1024xf32>
    %broadcast_in_dim3A_307 = vector.shape_cast %sub3A_63 : vector<5x1024xf32> to vector<1x5x1024xf32>
    %slice3A_308 = vector.extract_strided_slice %sub3A_100 {offsets = [40], sizes = [10], strides = [1]} : vector<50xf32> to vector<10xf32>
    %broadcast_in_dim3A_309 = vector.shape_cast %slice3A_308 : vector<10xf32> to vector<10x1x1xf32>
    %max3A_310 = vector.broadcast %broadcast_in_dim3A_307 : vector<1x5x1024xf32> to vector<10x5x1024xf32>
    %max3A_311 = vector.broadcast %broadcast_in_dim3A_309 : vector<10x1x1xf32> to vector<10x5x1024xf32>
    %max3A_312 = arith.maximumf %max3A_310, %max3A_311 : vector<10x5x1024xf32>
    %sub3A_313 = arith.subf %min3A_306, %max3A_312 : vector<10x5x1024xf32>
    %max3A_314 = arith.constant 0.000000e+00 : f32
    %max3A_315 = vector.broadcast %max3A_314 : f32 to vector<10x5x1024xf32>
    %max3A_316 = arith.maximumf %sub3A_300, %max3A_315 : vector<10x5x1024xf32>
    %max3A_317 = arith.constant 0.000000e+00 : f32
    %max3A_318 = vector.broadcast %max3A_317 : f32 to vector<10x5x1024xf32>
    %max3A_319 = arith.maximumf %sub3A_313, %max3A_318 : vector<10x5x1024xf32>
    %mul3A_320 = arith.mulf %max3A_316, %max3A_319 : vector<10x5x1024xf32>
    %slice3A_321 = vector.extract_strided_slice %select_n3A {offsets = [40], sizes = [10], strides = [1]} : vector<50xf32> to vector<10xf32>
    %broadcast_in_dim3A_322 = vector.shape_cast %slice3A_321 : vector<10xf32> to vector<10x1x1xf32>
    %sub3A_323 = vector.broadcast %broadcast_in_dim3A_322 : vector<10x1x1xf32> to vector<10x5x1024xf32>
    %sub3A_324 = arith.subf %mul3A_320, %sub3A_323 : vector<10x5x1024xf32>
    %reduce_max3A_325 = arith.constant dense<0xFF800000> : vector<5x1024xf32>
    %reduce_max3A_326 = vector.multi_reduction <maximumf>, %sub3A_324, %reduce_max3A_325 [0] : vector<10x5x1024xf32> to vector<5x1024xf32>
    %max3A_327 = arith.maximumf %max3A_287, %reduce_max3A_326 : vector<5x1024xf32>
    %mul3A_328 = arith.constant 3.750000e-01 : f32
    %mul3A_329 = vector.broadcast %mul3A_328 : f32 to vector<5x1024xf32>
    %mul3A_330 = arith.mulf %mul3A_329, %mul3A_68 : vector<5x1024xf32>
    %le3A_331 = arith.cmpf ole, %max3A_327, %mul3A_330 : vector<5x1024xf32>
    %convert_element_type3A_332 = arith.extui %le3A_331 : vector<5x1024xi1> to vector<5x1024xi32>
    %convert_element_type3A_333 = arith.sitofp %convert_element_type3A_332 : vector<5x1024xi32> to vector<5x1024xf32>
    %mul3A_334 = arith.mulf %logistic3A_37, %logistic3A_37 : vector<5x1024xf32>
    %mul3A_335 = arith.mulf %mul3A_334, %convert_element_type3A_333 : vector<5x1024xf32>
    %reduce_sum3A = vector.shape_cast %mul3A_335 : vector<5x1024xf32> to vector<1x5x1024xf32>
    %reduce_sum3A_336 = arith.constant dense<0.000000e+00> : vector<1xf32>
    %reduce_sum3A_337 = vector.multi_reduction <add>, %reduce_sum3A, %reduce_sum3A_336 [1, 2] : vector<1x5x1024xf32> to vector<1xf32>
    %reduce_sum3A_338 = vector.shape_cast %reduce_sum3A_337 : vector<1xf32> to vector<1x1x1xf32>
    %reduce_sum3A_339 = vector.extract %reduce_sum3A_338[0, 0, 0] : f32 from vector<1x1x1xf32>
    %mul3A_340 = arith.constant 5.000000e-01 : f32
    %mul3A_341 = arith.mulf %mul3A_340, %reduce_sum3A_339 : f32
    %broadcast_in_dim3A_342 = vector.broadcast %mul3A_341 : f32 to vector<1x1x1xf32>
    %swap3A = arith.constant 0 : index
    %swap3A_343 = arith.constant 0 : index
    %swap3A_344 = arith.constant 0 : index
    %swap3A_345 = vector.load %arg4[%swap3A, %swap3A_343, %swap3A_344] : memref<1x1x1xf32, #tpu.memory_space<vmem>>, vector<1x1x1xf32>
    tpu.vector_store %arg4[%swap3A, %swap3A_343, %swap3A_344], %broadcast_in_dim3A_342 {strides = array<i32>} : memref<1x1x1xf32, #tpu.memory_space<vmem>>, vector<1x1x1xf32>,
    return
  }
  func.func @transform_0(%arg0: i32) -> (i32, i32, i32) {
    %c0_i32 = arith.constant 0 : i32
    %c0_i32_0 = arith.constant 0 : i32
    %c0_i32_1 = arith.constant 0 : i32
    return %arg0, %c0_i32, %c0_i32_0 : i32, i32, i32
  }
  func.func @transform_1(%arg0: i32) -> (i32, i32, i32) {
    %c0_i32 = arith.constant 0 : i32
    %c0_i32_0 = arith.constant 0 : i32
    %c0_i32_1 = arith.constant 0 : i32
    return %arg0, %c0_i32, %c0_i32_0 : i32, i32, i32
  }
  func.func @transform_2(%arg0: i32) -> (i32, i32) {
    %c0_i32 = arith.constant 0 : i32
    %c0_i32_0 = arith.constant 0 : i32
    %c0_i32_1 = arith.constant 0 : i32
    return %c0_i32, %c0_i32_0 : i32, i32
  }
  func.func @transform_3(%arg0: i32) -> (i32, i32, i32) {
    %c0_i32 = arith.constant 0 : i32
    %c0_i32_0 = arith.constant 0 : i32
    %c0_i32_1 = arith.constant 0 : i32
    return %arg0, %c0_i32, %c0_i32_0 : i32, i32, i32
  }
}

module attributes {stable_mosaic.version = 14 : i64} {
  func.func @_corr_body(%arg0: i32, %arg1: memref<1x1x768xf32, #tpu.memory_space<vmem>>, %arg2: memref<1x7x50xf32, #tpu.memory_space<vmem>>, %arg3: memref<2x5xf32, #tpu.memory_space<vmem>>, %arg4: memref<1x1x1xf32, #tpu.memory_space<vmem>>) attributes {dimension_semantics = [#tpu.dimension_semantics<arbitrary>], iteration_bounds = array<i64: 32>, scalar_prefetch = 0 : i64, scratch_operands = 0 : i64, tpu.core_type = #tpu.core_type<tc>, window_params = [{transform_indices = @transform_0, window_bounds = array<i64: 1, 1, 768>}, {transform_indices = @transform_1, window_bounds = array<i64: 1, 7, 50>}, {pipeline_mode = #tpu.pipeline_mode<synchronous>, transform_indices = @transform_2, window_bounds = array<i64: 2, 5>}, {transform_indices = @transform_3, window_bounds = array<i64: 1, 1, 1>}]} {
    %get3A = arith.constant 0 : index
    %get3A_0 = arith.constant 0 : index
    %get3A_1 = arith.constant 0 : index
    %get3A_2 = vector.load %arg1[%get3A, %get3A_0, %get3A_1] : memref<1x1x768xf32, #tpu.memory_space<vmem>>, vector<1x1x768xf32>
    %get3A_3 = vector.shape_cast %get3A_2 : vector<1x1x768xf32> to vector<768xf32>
    %get3A_4 = arith.constant 0 : index
    %get3A_5 = arith.constant 0 : index
    %get3A_6 = arith.constant 0 : index
    %get3A_7 = vector.load %arg2[%get3A_4, %get3A_5, %get3A_6] : memref<1x7x50xf32, #tpu.memory_space<vmem>>, vector<1x7x50xf32>
    %get3A_8 = vector.shape_cast %get3A_7 : vector<1x7x50xf32> to vector<7x50xf32>
    %get3A_9 = arith.constant 0 : index
    %get3A_10 = arith.constant 0 : index
    %get3A_11 = vector.load %arg3[%get3A_9, %get3A_10] : memref<2x5xf32, #tpu.memory_space<vmem>>, vector<1x5xf32>
    %get3A_12 = vector.shape_cast %get3A_11 : vector<1x5xf32> to vector<5xf32>
    %get3A_13 = arith.constant 1 : index
    %get3A_14 = arith.constant 0 : index
    %get3A_15 = vector.load %arg3[%get3A_13, %get3A_14] : memref<2x5xf32, #tpu.memory_space<vmem>>, vector<1x5xf32>
    %get3A_16 = vector.shape_cast %get3A_15 : vector<1x5xf32> to vector<5xf32>
    %slice3A = vector.extract_strided_slice %get3A_8 {offsets = [1, 0], sizes = [1, 50], strides = [1, 1]} : vector<7x50xf32> to vector<1x50xf32>
    %squeeze3A = vector.shape_cast %slice3A : vector<1x50xf32> to vector<50xf32>
    %mul3A = arith.constant 3.200000e+01 : f32
    %mul3A_17 = vector.broadcast %mul3A : f32 to vector<50xf32>
    %mul3A_18 = arith.mulf %squeeze3A, %mul3A_17 : vector<50xf32>
    %slice3A_19 = vector.extract_strided_slice %get3A_8 {offsets = [2, 0], sizes = [1, 50], strides = [1, 1]} : vector<7x50xf32> to vector<1x50xf32>
    %squeeze3A_20 = vector.shape_cast %slice3A_19 : vector<1x50xf32> to vector<50xf32>
    %mul3A_21 = arith.constant 3.200000e+01 : f32
    %mul3A_22 = vector.broadcast %mul3A_21 : f32 to vector<50xf32>
    %mul3A_23 = arith.mulf %squeeze3A_20, %mul3A_22 : vector<50xf32>
    %slice3A_24 = vector.extract_strided_slice %get3A_8 {offsets = [3, 0], sizes = [1, 50], strides = [1, 1]} : vector<7x50xf32> to vector<1x50xf32>
    %squeeze3A_25 = vector.shape_cast %slice3A_24 : vector<1x50xf32> to vector<50xf32>
    %mul3A_26 = arith.constant 3.200000e+01 : f32
    %mul3A_27 = vector.broadcast %mul3A_26 : f32 to vector<50xf32>
    %mul3A_28 = arith.mulf %squeeze3A_25, %mul3A_27 : vector<50xf32>
    %slice3A_29 = vector.extract_strided_slice %get3A_8 {offsets = [4, 0], sizes = [1, 50], strides = [1, 1]} : vector<7x50xf32> to vector<1x50xf32>
    %squeeze3A_30 = vector.shape_cast %slice3A_29 : vector<1x50xf32> to vector<50xf32>
    %mul3A_31 = arith.constant 3.200000e+01 : f32
    %mul3A_32 = vector.broadcast %mul3A_31 : f32 to vector<50xf32>
    %mul3A_33 = arith.mulf %squeeze3A_30, %mul3A_32 : vector<50xf32>
    %mul3A_34 = arith.constant 5.000000e-01 : f32
    %mul3A_35 = vector.broadcast %mul3A_34 : f32 to vector<50xf32>
    %mul3A_36 = arith.mulf %mul3A_28, %mul3A_35 : vector<50xf32>
    %sub3A = arith.subf %mul3A_18, %mul3A_36 : vector<50xf32>
    %mul3A_37 = arith.constant 5.000000e-01 : f32
    %mul3A_38 = vector.broadcast %mul3A_37 : f32 to vector<50xf32>
    %mul3A_39 = arith.mulf %mul3A_28, %mul3A_38 : vector<50xf32>
    %add3A = arith.addf %mul3A_18, %mul3A_39 : vector<50xf32>
    %mul3A_40 = arith.constant 5.000000e-01 : f32
    %mul3A_41 = vector.broadcast %mul3A_40 : f32 to vector<50xf32>
    %mul3A_42 = arith.mulf %mul3A_33, %mul3A_41 : vector<50xf32>
    %sub3A_43 = arith.subf %mul3A_23, %mul3A_42 : vector<50xf32>
    %mul3A_44 = arith.constant 5.000000e-01 : f32
    %mul3A_45 = vector.broadcast %mul3A_44 : f32 to vector<50xf32>
    %mul3A_46 = arith.mulf %mul3A_33, %mul3A_45 : vector<50xf32>
    %add3A_47 = arith.addf %mul3A_23, %mul3A_46 : vector<50xf32>
    %mul3A_48 = arith.mulf %mul3A_28, %mul3A_33 : vector<50xf32>
    %iota3A = tpu.iota {dimensions = array<i32: 0>} : vector<50x50xi32>
    %iota3A_49 = tpu.iota {dimensions = array<i32: 1>} : vector<50x50xi32>
    %le3A = arith.cmpi sle, %iota3A_49, %iota3A : vector<50x50xi32>
    %slice3A_50 = vector.extract_strided_slice %get3A_8 {offsets = [1, 0], sizes = [1, 50], strides = [1, 1]} : vector<7x50xf32> to vector<1x50xf32>
    %squeeze3A_51 = vector.shape_cast %slice3A_50 : vector<1x50xf32> to vector<50xf32>
    %eq3A = arith.constant 0.000000e+00 : f32
    %eq3A_52 = vector.broadcast %eq3A : f32 to vector<50xf32>
    %eq3A_53 = arith.cmpf oeq, %squeeze3A_51, %eq3A_52 : vector<50xf32>
    %broadcast_in_dim3A = vector.shape_cast %eq3A_53 : vector<50xi1> to vector<1x50xi1>
    %and3A = vector.broadcast %broadcast_in_dim3A : vector<1x50xi1> to vector<50x50xi1>
    %and3A_54 = arith.andi %le3A, %and3A : vector<50x50xi1>
    %reduce_or3A = arith.constant 1.000000e+00 : f32
    %reduce_or3A_55 = arith.constant 0.000000e+00 : f32
    %reduce_or3A_56 = vector.broadcast %reduce_or3A : f32 to vector<50x50xf32>
    %reduce_or3A_57 = vector.broadcast %reduce_or3A_55 : f32 to vector<50x50xf32>
    %reduce_or3A_58 = arith.select %and3A_54, %reduce_or3A_56, %reduce_or3A_57 : vector<50x50xi1>, vector<50x50xf32>
    %reduce_or3A_59 = arith.constant dense<0xFF800000> : vector<50xf32>
    %reduce_or3A_60 = vector.multi_reduction <maximumf>, %reduce_or3A_58, %reduce_or3A_59 [1] : vector<50x50xf32> to vector<50xf32>
    %reduce_or3A_61 = arith.constant 0.000000e+00 : f32
    %reduce_or3A_62 = vector.broadcast %reduce_or3A_61 : f32 to vector<50xf32>
    %reduce_or3A_63 = arith.cmpf ogt, %reduce_or3A_60, %reduce_or3A_62 : vector<50xf32>
    %not3A = arith.constant dense<true> : vector<50xi1>
    %not3A_64 = arith.xori %reduce_or3A_63, %not3A : vector<50xi1>
    %broadcast_in_dim3A_65 = vector.shape_cast %get3A_12 : vector<5xf32> to vector<5x1xf32>
    %broadcast_in_dim3A_66 = vector.shape_cast %get3A_16 : vector<5xf32> to vector<5x1xf32>
    %broadcast_in_dim3A_67 = vector.shape_cast %mul3A_28 : vector<50xf32> to vector<1x50xf32>
    %min3A = vector.broadcast %broadcast_in_dim3A_65 : vector<5x1xf32> to vector<5x50xf32>
    %min3A_68 = vector.broadcast %broadcast_in_dim3A_67 : vector<1x50xf32> to vector<5x50xf32>
    %min3A_69 = arith.minimumf %min3A, %min3A_68 : vector<5x50xf32>
    %broadcast_in_dim3A_70 = vector.shape_cast %mul3A_33 : vector<50xf32> to vector<1x50xf32>
    %min3A_71 = vector.broadcast %broadcast_in_dim3A_66 : vector<5x1xf32> to vector<5x50xf32>
    %min3A_72 = vector.broadcast %broadcast_in_dim3A_70 : vector<1x50xf32> to vector<5x50xf32>
    %min3A_73 = arith.minimumf %min3A_71, %min3A_72 : vector<5x50xf32>
    %mul3A_74 = arith.mulf %min3A_69, %min3A_73 : vector<5x50xf32>
    %mul3A_75 = arith.mulf %broadcast_in_dim3A_65, %broadcast_in_dim3A_66 : vector<5x1xf32>
    %mul3A_76 = arith.mulf %mul3A_28, %mul3A_33 : vector<50xf32>
    %broadcast_in_dim3A_77 = vector.shape_cast %mul3A_76 : vector<50xf32> to vector<1x50xf32>
    %add3A_78 = vector.broadcast %mul3A_75 : vector<5x1xf32> to vector<5x50xf32>
    %add3A_79 = vector.broadcast %broadcast_in_dim3A_77 : vector<1x50xf32> to vector<5x50xf32>
    %add3A_80 = arith.addf %add3A_78, %add3A_79 : vector<5x50xf32>
    %sub3A_81 = arith.subf %add3A_80, %mul3A_74 : vector<5x50xf32>
    %div3A = arith.divf %mul3A_74, %sub3A_81 : vector<5x50xf32>
    %reduce_max3A = arith.constant dense<0xFF800000> : vector<50xf32>
    %reduce_max3A_82 = vector.multi_reduction <maximumf>, %div3A, %reduce_max3A [0] : vector<5x50xf32> to vector<50xf32>
    %iota3A_83 = tpu.iota {dimensions = array<i32: 0>} : vector<5x50xi32>
    %broadcast_in_dim3A_84 = vector.shape_cast %reduce_max3A_82 : vector<50xf32> to vector<1x50xf32>
    %eq3A_85 = vector.broadcast %broadcast_in_dim3A_84 : vector<1x50xf32> to vector<5x50xf32>
    %eq3A_86 = arith.cmpf oeq, %div3A, %eq3A_85 : vector<5x50xf32>
    %jit3A = arith.constant 6 : i32
    %broadcast_in_dim3A_87 = vector.broadcast %jit3A : i32 to vector<5x50xi32>
    %select_n3A = arith.select %eq3A_86, %iota3A_83, %broadcast_in_dim3A_87 : vector<5x50xi1>, vector<5x50xi32>
    %reduce_min3A = arith.constant dense<2147483647> : vector<50xi32>
    %reduce_min3A_88 = vector.multi_reduction <minsi>, %select_n3A, %reduce_min3A [0] : vector<5x50xi32> to vector<50xi32>
    %gt3A = arith.constant 0.000000e+00 : f32
    %gt3A_89 = vector.broadcast %gt3A : f32 to vector<50xf32>
    %gt3A_90 = arith.cmpf ogt, %reduce_max3A_82, %gt3A_89 : vector<50xf32>
    %and3A_91 = arith.andi %not3A_64, %gt3A_90 : vector<50xi1>
    %convert_element_type3A = arith.fptosi %mul3A_18 : vector<50xf32> to vector<50xi32>
    %convert_element_type3A_92 = arith.fptosi %mul3A_23 : vector<50xf32> to vector<50xi32>
    %mul3A_93 = arith.constant 32 : i32
    %mul3A_94 = vector.broadcast %mul3A_93 : i32 to vector<50xi32>
    %mul3A_95 = arith.muli %convert_element_type3A_92, %mul3A_94 : vector<50xi32>
    %add3A_96 = arith.addi %mul3A_95, %convert_element_type3A : vector<50xi32>
    %mul3A_97 = arith.constant 1024 : i32
    %mul3A_98 = vector.broadcast %mul3A_97 : i32 to vector<50xi32>
    %mul3A_99 = arith.muli %reduce_min3A_88, %mul3A_98 : vector<50xi32>
    %add3A_100 = arith.addi %mul3A_99, %add3A_96 : vector<50xi32>
    %gt3A_101 = arith.cmpi sgt, %iota3A_49, %iota3A : vector<50x50xi32>
    %broadcast_in_dim3A_102 = vector.shape_cast %add3A_100 : vector<50xi32> to vector<1x50xi32>
    %broadcast_in_dim3A_103 = vector.shape_cast %add3A_100 : vector<50xi32> to vector<50x1xi32>
    %eq3A_104 = vector.broadcast %broadcast_in_dim3A_102 : vector<1x50xi32> to vector<50x50xi32>
    %eq3A_105 = vector.broadcast %broadcast_in_dim3A_103 : vector<50x1xi32> to vector<50x50xi32>
    %eq3A_106 = arith.cmpi eq, %eq3A_104, %eq3A_105 : vector<50x50xi32>
    %and3A_107 = arith.andi %gt3A_101, %eq3A_106 : vector<50x50xi1>
    %broadcast_in_dim3A_108 = vector.shape_cast %and3A_91 : vector<50xi1> to vector<1x50xi1>
    %and3A_109 = vector.broadcast %broadcast_in_dim3A_108 : vector<1x50xi1> to vector<50x50xi1>
    %and3A_110 = arith.andi %and3A_107, %and3A_109 : vector<50x50xi1>
    %reduce_or3A_111 = arith.constant 1.000000e+00 : f32
    %reduce_or3A_112 = arith.constant 0.000000e+00 : f32
    %reduce_or3A_113 = vector.broadcast %reduce_or3A_111 : f32 to vector<50x50xf32>
    %reduce_or3A_114 = vector.broadcast %reduce_or3A_112 : f32 to vector<50x50xf32>
    %reduce_or3A_115 = arith.select %and3A_110, %reduce_or3A_113, %reduce_or3A_114 : vector<50x50xi1>, vector<50x50xf32>
    %reduce_or3A_116 = arith.constant dense<0xFF800000> : vector<50xf32>
    %reduce_or3A_117 = vector.multi_reduction <maximumf>, %reduce_or3A_115, %reduce_or3A_116 [1] : vector<50x50xf32> to vector<50xf32>
    %reduce_or3A_118 = arith.constant 0.000000e+00 : f32
    %reduce_or3A_119 = vector.broadcast %reduce_or3A_118 : f32 to vector<50xf32>
    %reduce_or3A_120 = arith.cmpf ogt, %reduce_or3A_117, %reduce_or3A_119 : vector<50xf32>
    %not3A_121 = arith.constant dense<true> : vector<50xi1>
    %not3A_122 = arith.xori %reduce_or3A_120, %not3A_121 : vector<50xi1>
    %and3A_123 = arith.andi %and3A_91, %not3A_122 : vector<50xi1>
    %slice3A_124 = vector.extract_strided_slice %get3A_3 {offsets = [0], sizes = [50], strides = [1]} : vector<768xf32> to vector<50xf32>
    %logistic3A = arith.negf %slice3A_124 : vector<50xf32>
    %logistic3A_125 = math.exp %logistic3A : vector<50xf32>
    %logistic3A_126 = arith.constant 1.000000e+00 : f32
    %logistic3A_127 = vector.broadcast %logistic3A_126 : f32 to vector<50xf32>
    %logistic3A_128 = arith.addf %logistic3A_127, %logistic3A_125 : vector<50xf32>
    %logistic3A_129 = arith.divf %logistic3A_127, %logistic3A_128 : vector<50xf32>
    %slice3A_130 = vector.extract_strided_slice %get3A_3 {offsets = [50], sizes = [50], strides = [1]} : vector<768xf32> to vector<50xf32>
    %logistic3A_131 = arith.negf %slice3A_130 : vector<50xf32>
    %logistic3A_132 = math.exp %logistic3A_131 : vector<50xf32>
    %logistic3A_133 = arith.constant 1.000000e+00 : f32
    %logistic3A_134 = vector.broadcast %logistic3A_133 : f32 to vector<50xf32>
    %logistic3A_135 = arith.addf %logistic3A_134, %logistic3A_132 : vector<50xf32>
    %logistic3A_136 = arith.divf %logistic3A_134, %logistic3A_135 : vector<50xf32>
    %slice3A_137 = vector.extract_strided_slice %get3A_3 {offsets = [100], sizes = [50], strides = [1]} : vector<768xf32> to vector<50xf32>
    %slice3A_138 = vector.extract_strided_slice %get3A_3 {offsets = [150], sizes = [50], strides = [1]} : vector<768xf32> to vector<50xf32>
    %slice3A_139 = vector.extract_strided_slice %get3A_3 {offsets = [200], sizes = [50], strides = [1]} : vector<768xf32> to vector<50xf32>
    %slice3A_140 = vector.extract_strided_slice %get3A_3 {offsets = [250], sizes = [50], strides = [1]} : vector<768xf32> to vector<50xf32>
    %slice3A_141 = vector.extract_strided_slice %get3A_3 {offsets = [300], sizes = [50], strides = [1]} : vector<768xf32> to vector<50xf32>
    %logistic3A_142 = arith.negf %slice3A_141 : vector<50xf32>
    %logistic3A_143 = math.exp %logistic3A_142 : vector<50xf32>
    %logistic3A_144 = arith.constant 1.000000e+00 : f32
    %logistic3A_145 = vector.broadcast %logistic3A_144 : f32 to vector<50xf32>
    %logistic3A_146 = arith.addf %logistic3A_145, %logistic3A_143 : vector<50xf32>
    %logistic3A_147 = arith.divf %logistic3A_145, %logistic3A_146 : vector<50xf32>
    %slice3A_148 = vector.extract_strided_slice %get3A_3 {offsets = [350], sizes = [50], strides = [1]} : vector<768xf32> to vector<50xf32>
    %broadcast_in_dim3A_149 = vector.shape_cast %slice3A_148 : vector<50xf32> to vector<1x50xf32>
    %slice3A_150 = vector.extract_strided_slice %get3A_3 {offsets = [400], sizes = [50], strides = [1]} : vector<768xf32> to vector<50xf32>
    %broadcast_in_dim3A_151 = vector.shape_cast %slice3A_150 : vector<50xf32> to vector<1x50xf32>
    %slice3A_152 = vector.extract_strided_slice %get3A_3 {offsets = [450], sizes = [50], strides = [1]} : vector<768xf32> to vector<50xf32>
    %broadcast_in_dim3A_153 = vector.shape_cast %slice3A_152 : vector<50xf32> to vector<1x50xf32>
    %slice3A_154 = vector.extract_strided_slice %get3A_3 {offsets = [500], sizes = [50], strides = [1]} : vector<768xf32> to vector<50xf32>
    %broadcast_in_dim3A_155 = vector.shape_cast %slice3A_154 : vector<50xf32> to vector<1x50xf32>
    %slice3A_156 = vector.extract_strided_slice %get3A_3 {offsets = [550], sizes = [50], strides = [1]} : vector<768xf32> to vector<50xf32>
    %broadcast_in_dim3A_157 = vector.shape_cast %slice3A_156 : vector<50xf32> to vector<1x50xf32>
    %slice3A_158 = vector.extract_strided_slice %get3A_3 {offsets = [600], sizes = [50], strides = [1]} : vector<768xf32> to vector<50xf32>
    %broadcast_in_dim3A_159 = vector.shape_cast %slice3A_158 : vector<50xf32> to vector<1x50xf32>
    %slice3A_160 = vector.extract_strided_slice %get3A_3 {offsets = [650], sizes = [50], strides = [1]} : vector<768xf32> to vector<50xf32>
    %broadcast_in_dim3A_161 = vector.shape_cast %slice3A_160 : vector<50xf32> to vector<1x50xf32>
    %slice3A_162 = vector.extract_strided_slice %get3A_3 {offsets = [700], sizes = [50], strides = [1]} : vector<768xf32> to vector<50xf32>
    %broadcast_in_dim3A_163 = vector.shape_cast %slice3A_162 : vector<50xf32> to vector<1x50xf32>
    %concatenate3A = tpu.concatenate %broadcast_in_dim3A_149, %broadcast_in_dim3A_151, %broadcast_in_dim3A_153, %broadcast_in_dim3A_155, %broadcast_in_dim3A_157, %broadcast_in_dim3A_159, %broadcast_in_dim3A_161, %broadcast_in_dim3A_163 in 0 : vector<1x50xf32>, vector<1x50xf32>, vector<1x50xf32>, vector<1x50xf32>, vector<1x50xf32>, vector<1x50xf32>, vector<1x50xf32>, vector<1x50xf32> -> vector<8x50xf32>
    %iota3A_164 = tpu.iota {dimensions = array<i32: 0>} : vector<5x50xi32>
    %broadcast_in_dim3A_165 = vector.shape_cast %reduce_min3A_88 : vector<50xi32> to vector<1x50xi32>
    %eq3A_166 = vector.broadcast %broadcast_in_dim3A_165 : vector<1x50xi32> to vector<5x50xi32>
    %eq3A_167 = arith.cmpi eq, %iota3A_164, %eq3A_166 : vector<5x50xi32>
    %convert_element_type3A_168 = arith.extui %eq3A_167 : vector<5x50xi1> to vector<5x50xi32>
    %convert_element_type3A_169 = arith.sitofp %convert_element_type3A_168 : vector<5x50xi32> to vector<5x50xf32>
    %broadcast_in_dim3A_170 = vector.shape_cast %get3A_12 : vector<5xf32> to vector<5x1xf32>
    %mul3A_171 = vector.broadcast %broadcast_in_dim3A_170 : vector<5x1xf32> to vector<5x50xf32>
    %mul3A_172 = arith.mulf %convert_element_type3A_169, %mul3A_171 : vector<5x50xf32>
    %reduce_sum3A = arith.constant dense<0.000000e+00> : vector<50xf32>
    %reduce_sum3A_173 = vector.multi_reduction <add>, %mul3A_172, %reduce_sum3A [0] : vector<5x50xf32> to vector<50xf32>
    %broadcast_in_dim3A_174 = vector.shape_cast %get3A_16 : vector<5xf32> to vector<5x1xf32>
    %mul3A_175 = vector.broadcast %broadcast_in_dim3A_174 : vector<5x1xf32> to vector<5x50xf32>
    %mul3A_176 = arith.mulf %convert_element_type3A_169, %mul3A_175 : vector<5x50xf32>
    %reduce_sum3A_177 = arith.constant dense<0.000000e+00> : vector<50xf32>
    %reduce_sum3A_178 = vector.multi_reduction <add>, %mul3A_176, %reduce_sum3A_177 [0] : vector<5x50xf32> to vector<50xf32>
    %convert_element_type3A_179 = arith.sitofp %convert_element_type3A : vector<50xi32> to vector<50xf32>
    %convert_element_type3A_180 = arith.sitofp %convert_element_type3A_92 : vector<50xi32> to vector<50xf32>
    %add3A_181 = arith.addf %logistic3A_129, %convert_element_type3A_179 : vector<50xf32>
    %add3A_182 = arith.addf %logistic3A_136, %convert_element_type3A_180 : vector<50xf32>
    %exp3A = math.exp %slice3A_137 : vector<50xf32>
    %mul3A_183 = arith.mulf %exp3A, %reduce_sum3A_173 : vector<50xf32>
    %exp3A_184 = math.exp %slice3A_138 : vector<50xf32>
    %mul3A_185 = arith.mulf %exp3A_184, %reduce_sum3A_178 : vector<50xf32>
    %mul3A_186 = arith.mulf %mul3A_183, %mul3A_185 : vector<50xf32>
    %mul3A_187 = arith.constant 5.000000e-01 : f32
    %mul3A_188 = vector.broadcast %mul3A_187 : f32 to vector<50xf32>
    %mul3A_189 = arith.mulf %mul3A_183, %mul3A_188 : vector<50xf32>
    %sub3A_190 = arith.subf %add3A_181, %mul3A_189 : vector<50xf32>
    %mul3A_191 = arith.constant 5.000000e-01 : f32
    %mul3A_192 = vector.broadcast %mul3A_191 : f32 to vector<50xf32>
    %mul3A_193 = arith.mulf %mul3A_183, %mul3A_192 : vector<50xf32>
    %add3A_194 = arith.addf %add3A_181, %mul3A_193 : vector<50xf32>
    %mul3A_195 = arith.constant 5.000000e-01 : f32
    %mul3A_196 = vector.broadcast %mul3A_195 : f32 to vector<50xf32>
    %mul3A_197 = arith.mulf %mul3A_185, %mul3A_196 : vector<50xf32>
    %sub3A_198 = arith.subf %add3A_182, %mul3A_197 : vector<50xf32>
    %mul3A_199 = arith.constant 5.000000e-01 : f32
    %mul3A_200 = vector.broadcast %mul3A_199 : f32 to vector<50xf32>
    %mul3A_201 = arith.mulf %mul3A_185, %mul3A_200 : vector<50xf32>
    %add3A_202 = arith.addf %add3A_182, %mul3A_201 : vector<50xf32>
    %mul3A_203 = arith.constant 3.750000e-01 : f32
    %mul3A_204 = vector.broadcast %mul3A_203 : f32 to vector<50xf32>
    %mul3A_205 = arith.mulf %mul3A_204, %mul3A_48 : vector<50xf32>
    %jit3A_206 = arith.constant 1.000000e+30 : f32
    %broadcast_in_dim3A_207 = vector.broadcast %jit3A_206 : f32 to vector<50xf32>
    %select_n3A_208 = arith.select %not3A_64, %mul3A_205, %broadcast_in_dim3A_207 : vector<50xi1>, vector<50xf32>
    %broadcast_in_dim3A_209 = vector.shape_cast %add3A_194 : vector<50xf32> to vector<50x1xf32>
    %broadcast_in_dim3A_210 = vector.shape_cast %add3A : vector<50xf32> to vector<1x50xf32>
    %min3A_211 = vector.broadcast %broadcast_in_dim3A_209 : vector<50x1xf32> to vector<50x50xf32>
    %min3A_212 = vector.broadcast %broadcast_in_dim3A_210 : vector<1x50xf32> to vector<50x50xf32>
    %min3A_213 = arith.minimumf %min3A_211, %min3A_212 : vector<50x50xf32>
    %broadcast_in_dim3A_214 = vector.shape_cast %sub3A_190 : vector<50xf32> to vector<50x1xf32>
    %broadcast_in_dim3A_215 = vector.shape_cast %sub3A : vector<50xf32> to vector<1x50xf32>
    %max3A = vector.broadcast %broadcast_in_dim3A_214 : vector<50x1xf32> to vector<50x50xf32>
    %max3A_216 = vector.broadcast %broadcast_in_dim3A_215 : vector<1x50xf32> to vector<50x50xf32>
    %max3A_217 = arith.maximumf %max3A, %max3A_216 : vector<50x50xf32>
    %sub3A_218 = arith.subf %min3A_213, %max3A_217 : vector<50x50xf32>
    %broadcast_in_dim3A_219 = vector.shape_cast %add3A_202 : vector<50xf32> to vector<50x1xf32>
    %broadcast_in_dim3A_220 = vector.shape_cast %add3A_47 : vector<50xf32> to vector<1x50xf32>
    %min3A_221 = vector.broadcast %broadcast_in_dim3A_219 : vector<50x1xf32> to vector<50x50xf32>
    %min3A_222 = vector.broadcast %broadcast_in_dim3A_220 : vector<1x50xf32> to vector<50x50xf32>
    %min3A_223 = arith.minimumf %min3A_221, %min3A_222 : vector<50x50xf32>
    %broadcast_in_dim3A_224 = vector.shape_cast %sub3A_198 : vector<50xf32> to vector<50x1xf32>
    %broadcast_in_dim3A_225 = vector.shape_cast %sub3A_43 : vector<50xf32> to vector<1x50xf32>
    %max3A_226 = vector.broadcast %broadcast_in_dim3A_224 : vector<50x1xf32> to vector<50x50xf32>
    %max3A_227 = vector.broadcast %broadcast_in_dim3A_225 : vector<1x50xf32> to vector<50x50xf32>
    %max3A_228 = arith.maximumf %max3A_226, %max3A_227 : vector<50x50xf32>
    %sub3A_229 = arith.subf %min3A_223, %max3A_228 : vector<50x50xf32>
    %max3A_230 = arith.constant 0.000000e+00 : f32
    %max3A_231 = vector.broadcast %max3A_230 : f32 to vector<50x50xf32>
    %max3A_232 = arith.maximumf %sub3A_218, %max3A_231 : vector<50x50xf32>
    %max3A_233 = arith.constant 0.000000e+00 : f32
    %max3A_234 = vector.broadcast %max3A_233 : f32 to vector<50x50xf32>
    %max3A_235 = arith.maximumf %sub3A_229, %max3A_234 : vector<50x50xf32>
    %mul3A_236 = arith.mulf %max3A_232, %max3A_235 : vector<50x50xf32>
    %broadcast_in_dim3A_237 = vector.shape_cast %select_n3A_208 : vector<50xf32> to vector<1x50xf32>
    %sub3A_238 = vector.broadcast %broadcast_in_dim3A_237 : vector<1x50xf32> to vector<50x50xf32>
    %sub3A_239 = arith.subf %mul3A_236, %sub3A_238 : vector<50x50xf32>
    %reduce_max3A_240 = arith.constant dense<0xFF800000> : vector<50xf32>
    %reduce_max3A_241 = vector.multi_reduction <maximumf>, %sub3A_239, %reduce_max3A_240 [1] : vector<50x50xf32> to vector<50xf32>
    %mul3A_242 = arith.constant 3.750000e-01 : f32
    %mul3A_243 = vector.broadcast %mul3A_242 : f32 to vector<50xf32>
    %mul3A_244 = arith.mulf %mul3A_243, %mul3A_186 : vector<50xf32>
    %le3A_245 = arith.cmpf ole, %reduce_max3A_241, %mul3A_244 : vector<50xf32>
    %convert_element_type3A_246 = arith.extui %le3A_245 : vector<50xi1> to vector<50xi32>
    %convert_element_type3A_247 = arith.sitofp %convert_element_type3A_246 : vector<50xi32> to vector<50xf32>
    %sub3A_248 = arith.subf %mul3A_18, %convert_element_type3A_179 : vector<50xf32>
    %sub3A_249 = arith.subf %mul3A_23, %convert_element_type3A_180 : vector<50xf32>
    %jit3A_250 = arith.constant 1.000000e+00 : f32
    %broadcast_in_dim3A_251 = vector.broadcast %jit3A_250 : f32 to vector<50xf32>
    %select_n3A_252 = arith.select %and3A_91, %mul3A_28, %broadcast_in_dim3A_251 : vector<50xi1>, vector<50xf32>
    %jit3A_253 = arith.constant 1.000000e+00 : f32
    %broadcast_in_dim3A_254 = vector.broadcast %jit3A_253 : f32 to vector<50xf32>
    %select_n3A_255 = arith.select %and3A_91, %mul3A_33, %broadcast_in_dim3A_254 : vector<50xi1>, vector<50xf32>
    %div3A_256 = arith.divf %select_n3A_252, %reduce_sum3A_173 : vector<50xf32>
    %log3A = math.log %div3A_256 : vector<50xf32>
    %div3A_257 = arith.divf %select_n3A_255, %reduce_sum3A_178 : vector<50xf32>
    %log3A_258 = math.log %div3A_257 : vector<50xf32>
    %slice3A_259 = vector.extract_strided_slice %get3A_8 {offsets = [5, 0], sizes = [1, 50], strides = [1, 1]} : vector<7x50xf32> to vector<1x50xf32>
    %squeeze3A_260 = vector.shape_cast %slice3A_259 : vector<1x50xf32> to vector<50xf32>
    %slice3A_261 = vector.extract_strided_slice %get3A_8 {offsets = [6, 0], sizes = [1, 50], strides = [1, 1]} : vector<7x50xf32> to vector<1x50xf32>
    %squeeze3A_262 = vector.shape_cast %slice3A_261 : vector<1x50xf32> to vector<50xf32>
    %sub3A_263 = arith.subf %logistic3A_129, %sub3A_248 : vector<50xf32>
    %integer_pow3A = arith.mulf %sub3A_263, %sub3A_263 : vector<50xf32>
    %sub3A_264 = arith.subf %logistic3A_136, %sub3A_249 : vector<50xf32>
    %integer_pow3A_265 = arith.mulf %sub3A_264, %sub3A_264 : vector<50xf32>
    %add3A_266 = arith.addf %integer_pow3A, %integer_pow3A_265 : vector<50xf32>
    %sub3A_267 = arith.subf %slice3A_137, %log3A : vector<50xf32>
    %integer_pow3A_268 = arith.mulf %sub3A_267, %sub3A_267 : vector<50xf32>
    %add3A_269 = arith.addf %add3A_266, %integer_pow3A_268 : vector<50xf32>
    %sub3A_270 = arith.subf %slice3A_138, %log3A_258 : vector<50xf32>
    %integer_pow3A_271 = arith.mulf %sub3A_270, %sub3A_270 : vector<50xf32>
    %add3A_272 = arith.addf %add3A_269, %integer_pow3A_271 : vector<50xf32>
    %sub3A_273 = arith.subf %slice3A_139, %squeeze3A_260 : vector<50xf32>
    %integer_pow3A_274 = arith.mulf %sub3A_273, %sub3A_273 : vector<50xf32>
    %add3A_275 = arith.addf %add3A_272, %integer_pow3A_274 : vector<50xf32>
    %sub3A_276 = arith.subf %slice3A_140, %squeeze3A_262 : vector<50xf32>
    %integer_pow3A_277 = arith.mulf %sub3A_276, %sub3A_276 : vector<50xf32>
    %add3A_278 = arith.addf %add3A_275, %integer_pow3A_277 : vector<50xf32>
    %min3A_279 = arith.minimumf %add3A, %add3A_194 : vector<50xf32>
    %max3A_280 = arith.maximumf %sub3A, %sub3A_190 : vector<50xf32>
    %sub3A_281 = arith.subf %min3A_279, %max3A_280 : vector<50xf32>
    %min3A_282 = arith.minimumf %add3A_47, %add3A_202 : vector<50xf32>
    %max3A_283 = arith.maximumf %sub3A_43, %sub3A_198 : vector<50xf32>
    %sub3A_284 = arith.subf %min3A_282, %max3A_283 : vector<50xf32>
    %mul3A_285 = arith.mulf %sub3A_281, %sub3A_284 : vector<50xf32>
    %le3A_286 = arith.constant 0.000000e+00 : f32
    %le3A_287 = vector.broadcast %le3A_286 : f32 to vector<50xf32>
    %le3A_288 = arith.cmpf ole, %sub3A_281, %le3A_287 : vector<50xf32>
    %le3A_289 = arith.constant 0.000000e+00 : f32
    %le3A_290 = vector.broadcast %le3A_289 : f32 to vector<50xf32>
    %le3A_291 = arith.cmpf ole, %sub3A_284, %le3A_290 : vector<50xf32>
    %or3A = arith.ori %le3A_288, %le3A_291 : vector<50xi1>
    %add3A_292 = arith.addf %mul3A_48, %mul3A_186 : vector<50xf32>
    %sub3A_293 = arith.subf %add3A_292, %mul3A_285 : vector<50xf32>
    %div3A_294 = arith.divf %mul3A_285, %sub3A_293 : vector<50xf32>
    %jit3A_295 = arith.constant 0.000000e+00 : f32
    %broadcast_in_dim3A_296 = vector.broadcast %jit3A_295 : f32 to vector<50xf32>
    %select_n3A_297 = arith.select %or3A, %broadcast_in_dim3A_296, %div3A_294 : vector<50xi1>, vector<50xf32>
    %reduce_max3A_298 = arith.constant dense<0xFF800000> : vector<50xf32>
    %reduce_max3A_299 = vector.multi_reduction <maximumf>, %concatenate3A, %reduce_max3A_298 [0] : vector<8x50xf32> to vector<50xf32>
    %broadcast_in_dim3A_300 = vector.shape_cast %reduce_max3A_299 : vector<50xf32> to vector<1x50xf32>
    %sub3A_301 = vector.broadcast %broadcast_in_dim3A_300 : vector<1x50xf32> to vector<8x50xf32>
    %sub3A_302 = arith.subf %concatenate3A, %sub3A_301 : vector<8x50xf32>
    %exp3A_303 = math.exp %sub3A_302 : vector<8x50xf32>
    %reduce_sum3A_304 = arith.constant dense<0.000000e+00> : vector<50xf32>
    %reduce_sum3A_305 = vector.multi_reduction <add>, %exp3A_303, %reduce_sum3A_304 [0] : vector<8x50xf32> to vector<50xf32>
    %log3A_306 = math.log %reduce_sum3A_305 : vector<50xf32>
    %add3A_307 = arith.addf %reduce_max3A_299, %log3A_306 : vector<50xf32>
    %iota3A_308 = tpu.iota {dimensions = array<i32: 0>} : vector<8x50xi32>
    %slice3A_309 = vector.extract_strided_slice %get3A_8 {offsets = [0, 0], sizes = [1, 50], strides = [1, 1]} : vector<7x50xf32> to vector<1x50xf32>
    %squeeze3A_310 = vector.shape_cast %slice3A_309 : vector<1x50xf32> to vector<50xf32>
    %convert_element_type3A_311 = arith.fptosi %squeeze3A_310 : vector<50xf32> to vector<50xi32>
    %broadcast_in_dim3A_312 = vector.shape_cast %convert_element_type3A_311 : vector<50xi32> to vector<1x50xi32>
    %eq3A_313 = vector.broadcast %broadcast_in_dim3A_312 : vector<1x50xi32> to vector<8x50xi32>
    %eq3A_314 = arith.cmpi eq, %iota3A_308, %eq3A_313 : vector<8x50xi32>
    %jit3A_315 = arith.constant 0.000000e+00 : f32
    %broadcast_in_dim3A_316 = vector.broadcast %jit3A_315 : f32 to vector<8x50xf32>
    %select_n3A_317 = arith.select %eq3A_314, %concatenate3A, %broadcast_in_dim3A_316 : vector<8x50xi1>, vector<8x50xf32>
    %reduce_sum3A_318 = arith.constant dense<0.000000e+00> : vector<50xf32>
    %reduce_sum3A_319 = vector.multi_reduction <add>, %select_n3A_317, %reduce_sum3A_318 [0] : vector<8x50xf32> to vector<50xf32>
    %mul3A_320 = arith.constant 5.000000e-01 : f32
    %mul3A_321 = vector.broadcast %mul3A_320 : f32 to vector<50xf32>
    %mul3A_322 = arith.mulf %mul3A_321, %add3A_278 : vector<50xf32>
    %sub3A_323 = arith.subf %logistic3A_147, %select_n3A_297 : vector<50xf32>
    %integer_pow3A_324 = arith.mulf %sub3A_323, %sub3A_323 : vector<50xf32>
    %mul3A_325 = arith.constant 5.000000e+01 : f32
    %mul3A_326 = vector.broadcast %mul3A_325 : f32 to vector<50xf32>
    %mul3A_327 = arith.mulf %mul3A_326, %integer_pow3A_324 : vector<50xf32>
    %add3A_328 = arith.addf %mul3A_322, %mul3A_327 : vector<50xf32>
    %mul3A_329 = arith.constant 5.000000e-01 : f32
    %mul3A_330 = vector.broadcast %mul3A_329 : f32 to vector<50xf32>
    %mul3A_331 = arith.mulf %mul3A_330, %convert_element_type3A_247 : vector<50xf32>
    %mul3A_332 = arith.mulf %mul3A_331, %logistic3A_147 : vector<50xf32>
    %mul3A_333 = arith.mulf %mul3A_332, %logistic3A_147 : vector<50xf32>
    %sub3A_334 = arith.subf %add3A_328, %mul3A_333 : vector<50xf32>
    %sub3A_335 = arith.subf %add3A_307, %reduce_sum3A_319 : vector<50xf32>
    %add3A_336 = arith.addf %sub3A_334, %sub3A_335 : vector<50xf32>
    %jit3A_337 = arith.constant 0.000000e+00 : f32
    %broadcast_in_dim3A_338 = vector.broadcast %jit3A_337 : f32 to vector<50xf32>
    %select_n3A_339 = arith.select %and3A_123, %add3A_336, %broadcast_in_dim3A_338 : vector<50xi1>, vector<50xf32>
    %reduce_sum3A_340 = vector.shape_cast %select_n3A_339 : vector<50xf32> to vector<1x50xf32>
    %reduce_sum3A_341 = arith.constant dense<0.000000e+00> : vector<1xf32>
    %reduce_sum3A_342 = vector.multi_reduction <add>, %reduce_sum3A_340, %reduce_sum3A_341 [1] : vector<1x50xf32> to vector<1xf32>
    %reduce_sum3A_343 = vector.shape_cast %reduce_sum3A_342 : vector<1xf32> to vector<1x1xf32>
    %reduce_sum3A_344 = vector.extract %reduce_sum3A_343[0, 0] : f32 from vector<1x1xf32>
    %broadcast_in_dim3A_345 = vector.broadcast %reduce_sum3A_344 : f32 to vector<1x1x1xf32>
    %swap3A = arith.constant 0 : index
    %swap3A_346 = arith.constant 0 : index
    %swap3A_347 = arith.constant 0 : index
    %swap3A_348 = vector.load %arg4[%swap3A, %swap3A_346, %swap3A_347] : memref<1x1x1xf32, #tpu.memory_space<vmem>>, vector<1x1x1xf32>
    tpu.vector_store %arg4[%swap3A, %swap3A_346, %swap3A_347], %broadcast_in_dim3A_345 {strides = array<i32>} : memref<1x1x1xf32, #tpu.memory_space<vmem>>, vector<1x1x1xf32>,
    return
  }
  func.func @transform_0(%arg0: i32) -> (i32, i32, i32) {
    %c0_i32 = arith.constant 0 : i32
    %c0_i32_0 = arith.constant 0 : i32
    %c0_i32_1 = arith.constant 0 : i32
    return %arg0, %c0_i32, %c0_i32_0 : i32, i32, i32
  }
  func.func @transform_1(%arg0: i32) -> (i32, i32, i32) {
    %c0_i32 = arith.constant 0 : i32
    %c0_i32_0 = arith.constant 0 : i32
    %c0_i32_1 = arith.constant 0 : i32
    return %arg0, %c0_i32, %c0_i32_0 : i32, i32, i32
  }
  func.func @transform_2(%arg0: i32) -> (i32, i32) {
    %c0_i32 = arith.constant 0 : i32
    %c0_i32_0 = arith.constant 0 : i32
    %c0_i32_1 = arith.constant 0 : i32
    return %c0_i32, %c0_i32_0 : i32, i32
  }
  func.func @transform_3(%arg0: i32) -> (i32, i32, i32) {
    %c0_i32 = arith.constant 0 : i32
    %c0_i32_0 = arith.constant 0 : i32
    %c0_i32_1 = arith.constant 0 : i32
    return %arg0, %c0_i32, %c0_i32_0 : i32, i32, i32
  }
}

</mosaic_0001>

<sc_bundles>
// kernel: kernel.6.cloned.1.call-start
scs
__scs_entry_jumppad:
0x0: {  	(pc) =	sbr.rel $0x88, $3  }
0x1: {  	(tag) =	ssettag $0x0;
	lr =	simm.s32 $0x1  }
0x2: {  	[smem:$0x3F9F] =	sst lr;
	_ =	strace $0xD0000000  }
0x3: {  	_ = 	snop  }
0x4: {  	_ = 	snop  }
0x5: {  	_ = 	snop  }
0x6: {  	_ = 	snop  }
0x7: {  	_ = 	snop  }
__scs_overlays_trampoline_lowered:
0x8: {  	[smem:$0x3FAE] =	sst s0  }
0x9: {  	[smem:$0x3FAF] =	sst s1  }
0xa: {  	[smem:$0x3FB0] =	sst s2  }
0xb: {  	[smem:$0x3FB1] =	sst s3  }
0xc: {  	[smem:$0x3FB2] =	sst s4  }
0xd: {  	[smem:$0x3FB3] =	sst s5  }
0xe: {  	[smem:$0x3FB4] =	sst s6  }
0xf: {  	[smem:$0x3FB5] =	sst s7  }
0x10: {  	[smem:$0x3FB6] =	sst s8  }
0x11: {  	[smem:$0x3FB7] =	sst s9;
	s0 =	simm.s32 @!p0 $0x0  }
0x12: {  	s1 =	sld [smem:$0x3F9D];
	s0 =	simm.s32 @p0 $0x1  }
0x13: {  	[smem:$0x3FB8] =	sst s0;
	s0 =	simm.s32 @!p1 $0x0  }
0x14: {  	s2 =	sld [smem:$0x3F9C];
	s0 =	simm.s32 @p1 $0x1  }
0x15: {  	[smem:$0x3FB9] =	sst s0;
	s0 =	simm.s32 @!p2 $0x0  }
0x16: {  	s3 =	sld [smem:$0x3FDB];
	s0 =	simm.s32 @p2 $0x1  }
0x17: {  	s4 =	simm.s32 $0x1BF5;
	[smem:$0x3FBB] =	sst s0  }
0x18: {  	s0 =	sld [smem:$0x3F9E];
	_ =	swait.ge [sflag:s4], $0x0  }
0x19: {  	s7 =	sld [smem:$0x3F9F]  }
0x1a: {  	s8 =	sadd.s32 $0xFFFFE003, lr  }
0x1b: {  	s9 =	sadd.s32 $0xFFFFFEF7, lr;
	s5 =	simm.s32 $0xFFFFFFFF;
	p2 =	slt.u32 s8, $0xFFFFF086  }
0x1c: {  	p1 =	slt.u32 s9, $0xF7A;
	s5 =	simm.s32 @!p2 $0x0  }
0x1d: {  	s5 =	simm.s32 @p1 $0x1;
	p0 =	seq.s32 s7, s2  }
0x1e: {  	s7 =	smul.u32 @!p0 $0xF7A, s2;
	p2 =	seq.s32 @!p0 s5, $0x0  }
0x1f: {  	s9 =	smul.u32 $0xF7A, s1;
	s8 =	simm.s32 @!p0 $0x1BF5;
	p2 =	por !p2, p0  }
0x20: {  	[sflag:s8] =	ssyncset.s32 @!p0 $0xFFFFF086;
	s6 =	sadd.s32 @!p0 s3, s7;
	s7 =	simm.s32 @!p0 $0x108  }
0x21: {  	s3 =	sadd.s32 s3, s9;
	s6 =	sadd.s32 @!p0 $0x88, s6;
	s7 =	simm.s32 @p2 $0x1082  }
0x22: {  	[simem:s7], [sflag:s8] =	dma.local @!p0 [hbm:s6], $0xF7A  }
0x23: {  	s9 =	sor.u32 $0xD0000000, s2;
	s6 =	simm.s32 $0x108;
	_ =	swait.ge @!p0 [sflag:s8], $0x0  }
0x24: {  	s3 =	sadd.s32 $0x88, s3;
	s6 =	simm.s32 @!p1 $0x1082;
	[sflag:s4] =	ssyncset.s32 $0xFFFFF086  }
0x25: {  	[simem:s6], [sflag:s4] =	dma.local [hbm:s3], $0xF7A  }
0x26: {  	[smem:$0x3F9F] =	sst s1;
	(tag) =	ssettag s2;
	_ =	strace s9  }
0x27: {  	s1 =	sld [smem:$0x3FAF]  }
0x28: {  	s2 =	sld [smem:$0x3FB0]  }
0x29: {  	s4 =	sld [smem:$0x3FB2]  }
0x2a: {  	p0 =	seq.s32 s5, $0x0;
	s5 =	sld [smem:$0x3FB3]  }
0x2b: {  	s6 =	sld [smem:$0x3FB4]  }
0x2c: {  	s7 =	sld [smem:$0x3FB5]  }
0x2d: {  	s3 =	simm.s32 $0x108;
	s8 =	sld [smem:$0x3FB6]  }
0x2e: {  	s3 =	simm.s32 @!p0 $0x1082;
	s9 =	sld [smem:$0x3FB7]  }
0x2f: {  	lr =	sadd.s32 s0, s3;
	s0 =	sld [smem:$0x3FAE]  }
0x30: {  	s3 =	sld [smem:$0x3FB1]  }
0x31: {  	[smem:$0x3FBA] =	sst s10  }
0x32: {  	s10 =	sld [smem:$0x3FB8];
	_ =	sdelay $0x3  }
0x33: {  	p0 =	seq.s32 s10, $0x1;
	s10 =	sld [smem:$0x3FBA];
	_ =	sdelay $0x3  }
0x34: {  	[smem:$0x3FBA] =	sst s10  }
0x35: {  	s10 =	sld [smem:$0x3FB9];
	_ =	sdelay $0x3  }
0x36: {  	p1 =	seq.s32 s10, $0x1;
	s10 =	sld [smem:$0x3FBA];
	_ =	sdelay $0x3  }
0x37: {  	[smem:$0x3FBA] =	sst s10  }
0x38: {  	s10 =	sld [smem:$0x3FBB]  }
0x39: {  	_ = 	snop;
	(pc) =	sbr.ind lr, $3  }
0x3a: {  	_ = 	snop  }
0x3b: {  	_ = 	snop  }
0x3c: {  	p2 =	seq.s32 s10, $0x1;
	s10 =	sld [smem:$0x3FBA]  }
0x3d: {  	_ =	shalt  }
0x3e: {  	_ =	shalt  }
0x3f: {  	_ =	shalt  }
0x40: {  	_ =	shalt  }
0x41: {  	_ =	shalt  }
0x42: {  	_ =	shalt  }
0x43: {  	_ =	shalt  }
0x44: {  	_ =	shalt  }
0x45: {  	_ =	shalt  }
0x46: {  	_ =	shalt  }
0x47: {  	_ =	shalt  }
0x48: {  	_ =	shalt  }
0x49: {  	_ =	shalt  }
0x4a: {  	_ =	shalt  }
0x4b: {  	_ =	shalt  }
0x4c: {  	_ =	shalt  }
0x4d: {  	_ =	shalt  }
0x4e: {  	_ =	shalt  }
0x4f: {  	_ =	shalt  }
0x50: {  	_ =	shalt  }
0x51: {  	_ =	shalt  }
0x52: {  	_ =	shalt  }
0x53: {  	_ =	shalt  }
0x54: {  	_ =	shalt  }
0x55: {  	_ =	shalt  }
0x56: {  	_ =	shalt  }
0x57: {  	_ =	shalt  }
0x58: {  	_ =	shalt  }
0x59: {  	_ =	shalt  }
0x5a: {  	_ =	shalt  }
0x5b: {  	_ =	shalt  }
0x5c: {  	_ =	shalt  }
0x5d: {  	_ =	shalt  }
0x5e: {  	_ =	shalt  }
0x5f: {  	_ =	shalt  }
0x60: {  	_ =	shalt  }
0x61: {  	_ =	shalt  }
0x62: {  	_ =	shalt  }
0x63: {  	_ =	shalt  }
0x64: {  	_ =	shalt  }
0x65: {  	_ =	shalt  }
0x66: {  	_ =	shalt  }
0x67: {  	_ =	shalt  }
0x68: {  	_ =	shalt  }
0x69: {  	_ =	shalt  }
0x6a: {  	_ =	shalt  }
0x6b: {  	_ =	shalt  }
0x6c: {  	_ =	shalt  }
0x6d: {  	_ =	shalt  }
0x6e: {  	_ =	shalt  }
0x6f: {  	_ =	shalt  }
0x70: {  	_ =	shalt  }
0x71: {  	_ =	shalt  }
0x72: {  	_ =	shalt  }
0x73: {  	_ =	shalt  }
0x74: {  	_ =	shalt  }
0x75: {  	_ =	shalt  }
0x76: {  	_ =	shalt  }
0x77: {  	_ =	shalt  }
0x78: {  	_ =	shalt  }
0x79: {  	_ =	shalt  }
0x7a: {  	_ =	shalt  }
0x7b: {  	_ =	shalt  }
0x7c: {  	_ =	shalt  }
0x7d: {  	_ =	shalt  }
0x7e: {  	_ =	shalt  }
0x7f: {  	_ =	shalt  }
0x80: {  	_ =	shalt  }
0x81: {  	_ =	shalt  }
0x82: {  	_ =	shalt  }
0x83: {  	_ =	shalt  }
0x84: {  	_ =	shalt  }
0x85: {  	_ =	shalt  }
0x86: {  	_ =	shalt  }
0x87: {  	_ =	shalt  }
.Lfunc_end0:
.L_simem_size_0:
called_computation_lowered:
.L_overlay_start_0:
0x88: {  	s2 =	sld [smem:$0x3FD9]  }
0x89: {  	s3 =	sld [smem:$0x3FFE];
	_ =	sdelay $0x1  }
0x8a: {  	s1 =	srdreg.scid  }
0x8b: {  	s0 =	sand.u32 $0x1, s1  }
0x8c: {  	s16 =	sshll.u32 s0, $0xA;
	s2 =	sadd.s32 s3, s2  }
0x8d: {  	s2 =	sadd.s32 s2, s16  }
0x8e: {  	[smem:$0x3FC6] =	sst s2  }
0x8f: {  	_ = 	snop  }
0x90: {  	(tm) =	ssettm $0x1  }
0x91: {  	s17 =	sld [smem:$0x3FFB];
	_ =	sdelay $0x3  }
0x92: {  	_ =	strace s17  }
0x93: {  	s2 =	sld [smem:$0x3FFC];
	_ =	sdelay $0x3  }
0x94: {  	_ =	strace s2  }
0x95: {  	s2 =	sld [smem:$0x3FFD];
	_ =	sdelay $0x3  }
0x96: {  	_ =	strace s2  }
0x97: {  	_ =	strace $0x8FFFFFFF  }
0x98: {  	s18 =	sld [smem:$0x3FDB];
	_ =	sdelay $0x1  }
0x99: {  	s19 =	simm.s32 $_scs_section_size  }
0x9a: {  	s4 =	simm.s32 $_size__tile_overlayer_lowered;
	s5 =	simm.s32 $_tile_overlayer_lowered  }
0x9b: {  	s22 =	simm.s32 $0x1BFF;
	s21 =	sshll.u32 s5, $0x1;
	s2 =	sadd.s32 s19, s18  }
0x9c: {  	s6 =	simm.s32 $0x0;
	s20 =	sshll.u32 s4, $0x1;
	s4 =	sadd.s32 s21, s2  }
0x9d: {  	[timem:s6], [sflag:s22] =	dma.local [hbm:s4], s20  }
0x9e: {  	_ =	swait.ge [sflag:s22], s20  }
0x9f: {  	s3 =	ssub.s32 $0x0, s20;
	[sflag:s22] =	ssyncset.done $0x0  }
0xa0: {  	[sflag:s22] =	ssyncadd.s32 s3;
	_ =	sdelay $0x1  }
0xa1: {  	s23 =	simm.s32 $0x1B8B  }
0xa2: {  	_ =	swait.ge [sflag:s23], $0x1  }
0xa3: {  	[sflag:s23] =	ssyncset.done $0x0  }
0xa4: {  	s25 =	simm.s32 $0x1B8E;
	s24 =	sld [smem:$0x3FFE];
	[sflag:s23] =	ssyncadd.s32 $0xFFFFFFFF  }
0xa5: {  	s26 =	simm.s32 $execute0_lowered;
	[smem:$0x3FD2] =	sst s25  }
0xa6: {  	s4 =	sshll.u32 s26, $0x1;
	_ =	strace $0x80000046;
	[dreg:$0x1] =	wrdreg $0xFFFFFFFF  }
0xa7: {  	s28 =	simm.s32 $_size_execute0_lowered;
	s2 =	sadd.s32 s2, s4;
	[dreg:$0x0] =	wrdreg $0x0  }
0xa8: {  	s4 =	sshll.u32 s28, $0x1;
	[dreg:$0x2] =	wrdreg s2  }
0xa9: {  	[dreg:$0x3] =	wrdreg s4  }
0xaa: {  	[dreg:$0x4] =	wrdreg $0xC0  }
0xab: {  	_ =	task [dreg:s6], $0x5FFFF  }
0xac: {  	[dreg:$0x1] =	wrdreg $0xFFFFFFFF  }
0xad: {  	[dreg:$0x0] =	wrdreg $0x60  }
0xae: {  	[dreg:$0x2] =	wrdreg s24  }
0xaf: {  	[dreg:$0x3] =	wrdreg $0x9  }
0xb0: {  	_ =	task.clear_ibuf [dreg:s6], $0x4FFFF;
	_ =	strace $0x90000046  }
0xb1: {  	s29 =	simm.s32 $0x9;
	_ =	strace $0x80000048  }
0xb2: {  	_ =	swait.ge [sflag:s29], $0x1  }
0xb3: {  	[sflag:s29] =	ssyncadd.s32 $0xFFFFFFFF  }
0xb4: {  	_ =	strace $0x90000048  }
0xb5: {  	_ =	sfence  }
0xb6: {  	s30 =	sld [smem:$0x0];
	_ =	sdelay $0x2  }
0xb7: {  	s31 =	sshll.u32 s1, $0xD;
	s1 =	sshrl.u32 s1, $0x2  }
0xb8: {  	s3 =	sand.u32 $0x4000, s31;
	s1 =	sadd.s32 s1, s30  }
0xb9: {  	s0 =	sor.u32 s3, s0;
	s1 =	sshll.u32 s1, $0x11  }
0xba: {  	s0 =	sor.u32 s1, s0  }
0xbb: {  	s0 =	sadd.s32 $0x8F2B, s0  }
0xbc: {  	[sflag:s0] =	ssyncadd.remote.s32 $0x1  }
0xbd: {  	_ =	sfence.sel $0xFFFF  }
0xbe: {  	[dreg:$0x0] =	wrdreg $0xFFFFFFFF;
	(pc) =	sbr.abs _section_cstart, $3  }
0xbf: {  	[dreg:$0x1] =	wrdreg $0xFFFFFFFF  }
0xc0: {  	_ =	task.clear_ibuf [dreg:s6], $0x2FFFF;
	_ =	strace $0x9FFFFFFF  }
0xc1: {  	(tm) =	ssettm $0x7FFFFFFF  }
tec
execute0_lowered:
.L_overlay_start_1:
0x0: {  	(tag) =	ssettag $0x1  }
0x1: {  	s1 =	srdreg.scid  }
0x2: {  	s0 =	stileid.u32;
	s4 =	rddreg [dreg:$0x0]  }
0x3: {  	s2 =	simm.s32 $0x0;
	s9 =	simm.s32 $0x12C00;
	s10 =	simm.s32 $0x2  }
0x4: {  	s11 =	simm.s32 $0x1;
	s12 =	simm.s32 $0x12F00;
	s3 =	sand.u32 $0x1, s1  }
0x5: {  	s30 =	sshll.u32 s0, $0x1;
	s6 =	sshrl.u32 s0, $0x2;
	s1 =	rddreg [dreg:$0x1]  }
0x6: {  	[smem:$0x7FF] =	sst s2;
	s5 =	sor.u32 s3, s30;
	s7 =	smul.u32 $0x96000, s6  }
0x7: {  	s6 =	smul.u32 $0x1800, s6;
	_ =	strace $0x80000047;
	s8 =	sshll.u32 s5, $0x7  }
0x8: {  	s3 =	ssub.s32 $0x2, s3;
	s5 =	smul.u32 $0x60, s5;
	s8 =	sand.u32 $0x380, s8  }
0x9: {  	s31 =	sshrl.u32 s3, $0x1;
	s7 =	sor.u32 s7, s8;
	s6 =	sor.u32 s6, s8  }
0xa: {  	s5 =	sadd.s32 s5, s4;
	s7 =	sshrl.u32 s7, $0x3;
	s6 =	sshrl.u32 s6, $0x3  }
0xb: {  	s8 =	ssub.s32 s3, s31;
	s7 =	sadd.s32 s7, s4;
	s6 =	sadd.s32 s6, s4  }
0xc: {  	s5 =	sadd.s32 $0x1C00, s5;
	s3 =	sadd.s32 $0x12D000, s7;
	s4 =	sadd.s32 $0x1000, s6  }
0xd: {  	s6 =	smax.u32 s8, $0x1;
	s7 =	simm.s32 $0x80;
	s8 =	simm.s32 $0x400  }
.LBB2_1:
0xe: {  	[tilespmem:s2], [sflag:$0x1] =	stream.strided.gather [hbm4b:s3+s7], $0x12C00, s8, s7, $0x38;
	[tilespmem:$0x13200] =	vst v63  }
0xf: {  	_ = 	snop  }
0x10: {  	[tilespmem:s9], [sflag:$0x2] =	stream.strided.gather [hbm4b:s4+s7], $0x300, s8, s7, $0x38;
	[tilespmem:$0x13200] =	vst v63  }
0x11: {  	_ =	swait.ge [sflag:s10], $0x300  }
0x12: {  	[sflag:s10] =	ssyncset.done $0x0  }
0x13: {  	[sflag:s10] =	ssyncadd.s32 $0xFFFFFD00  }
0x14: {  	_ =	swait.ge [sflag:s11], $0x12C00  }
0x15: {  	[sflag:s11] =	ssyncset.done $0x0  }
0x16: {  	[sflag:s11] =	ssyncadd.s32 $0xFFFED400  }
0x17: {  	v0 =	vld [tilespmem:$0x12C00];
	_ =	sdelay $0x5  }
0x18: {  	v1 =	vld [tilespmem:$0x12C10];
	_ =	sdelay $0x1  }
0x19: {  	v0 =	vld.idx.msk [tilespmem:v0+s2+$0x0], $0xffff;
	_ =	sdelay $0x3  }
0x1a: {  	v2 =	vld [tilespmem:$0x12C20]  }
0x1b: {  	[tilespmem:$0x12F00] =	vst v0  }
0x1c: {  	v0 =	vld.idx.msk [tilespmem:v1+s2+$0x0], $0xffff;
	_ =	sdelay $0x3  }
0x1d: {  	v19 =	vld [tilespmem:$0x12C30]  }
0x1e: {  	[tilespmem:$0x12F10] =	vst v0  }
0x1f: {  	v0 =	vld.idx.msk [tilespmem:v2+s2+$0x0], $0xffff;
	_ =	sdelay $0x3  }
0x20: {  	v20 =	vld [tilespmem:$0x12C40]  }
0x21: {  	[tilespmem:$0x12F20] =	vst v0  }
0x22: {  	v0 =	vld.idx.msk [tilespmem:v19+s2+$0x0], $0xffff;
	_ =	sdelay $0x3  }
0x23: {  	v21 =	vld [tilespmem:$0x12C50]  }
0x24: {  	[tilespmem:$0x12F30] =	vst v0  }
0x25: {  	v0 =	vld.idx.msk [tilespmem:v20+s2+$0x0], $0xffff;
	_ =	sdelay $0x3  }
0x26: {  	v22 =	vld [tilespmem:$0x12C60]  }
0x27: {  	[tilespmem:$0x12F40] =	vst v0  }
0x28: {  	v0 =	vld.idx.msk [tilespmem:v21+s2+$0x0], $0xffff;
	_ =	sdelay $0x3  }
0x29: {  	v23 =	vld [tilespmem:$0x12C70]  }
0x2a: {  	[tilespmem:$0x12F50] =	vst v0  }
0x2b: {  	v0 =	vld.idx.msk [tilespmem:v22+s2+$0x0], $0xffff;
	_ =	sdelay $0x3  }
0x2c: {  	v24 =	vld [tilespmem:$0x12C80]  }
0x2d: {  	[tilespmem:$0x12F60] =	vst v0  }
0x2e: {  	v0 =	vld.idx.msk [tilespmem:v23+s2+$0x0], $0xffff;
	_ =	sdelay $0x3  }
0x2f: {  	v25 =	vld [tilespmem:$0x12C90]  }
0x30: {  	[tilespmem:$0x12F70] =	vst v0  }
0x31: {  	v0 =	vld.idx.msk [tilespmem:v24+s2+$0x0], $0xffff;
	_ =	sdelay $0x3  }
0x32: {  	v26 =	vld [tilespmem:$0x12CA0]  }
0x33: {  	[tilespmem:$0x12F80] =	vst v0  }
0x34: {  	v0 =	vld.idx.msk [tilespmem:v25+s2+$0x0], $0xffff;
	_ =	sdelay $0x3  }
0x35: {  	v27 =	vld [tilespmem:$0x12CB0]  }
0x36: {  	[tilespmem:$0x12F90] =	vst v0  }
0x37: {  	v0 =	vld.idx.msk [tilespmem:v26+s2+$0x0], $0xffff;
	_ =	sdelay $0x3  }
0x38: {  	v28 =	vld [tilespmem:$0x12CC0]  }
0x39: {  	[tilespmem:$0x12FA0] =	vst v0  }
0x3a: {  	v0 =	vld.idx.msk [tilespmem:v27+s2+$0x0], $0xffff;
	_ =	sdelay $0x3  }
0x3b: {  	v29 =	vld [tilespmem:$0x12CD0]  }
0x3c: {  	[tilespmem:$0x12FB0] =	vst v0  }
0x3d: {  	v0 =	vld.idx.msk [tilespmem:v28+s2+$0x0], $0xffff;
	_ =	sdelay $0x3  }
0x3e: {  	v30 =	vld [tilespmem:$0x12CE0]  }
0x3f: {  	[tilespmem:$0x12FC0] =	vst v0  }
0x40: {  	v0 =	vld.idx.msk [tilespmem:v29+s2+$0x0], $0xffff;
	_ =	sdelay $0x3  }
0x41: {  	v31 =	vld [tilespmem:$0x12CF0]  }
0x42: {  	[tilespmem:$0x12FD0] =	vst v0  }
0x43: {  	v0 =	vld.idx.msk [tilespmem:v30+s2+$0x0], $0xffff;
	_ =	sdelay $0x3  }
0x44: {  	v32 =	vld [tilespmem:$0x12D00]  }
0x45: {  	[tilespmem:$0x12FE0] =	vst v0  }
0x46: {  	v0 =	vld.idx.msk [tilespmem:v31+s2+$0x0], $0xffff;
	_ =	sdelay $0x3  }
0x47: {  	v33 =	vld [tilespmem:$0x12D10]  }
0x48: {  	[tilespmem:$0x12FF0] =	vst v0  }
0x49: {  	v0 =	vld.idx.msk [tilespmem:v32+s2+$0x0], $0xffff;
	_ =	sdelay $0x3  }
0x4a: {  	v34 =	vld [tilespmem:$0x12D20]  }
0x4b: {  	[tilespmem:$0x13000] =	vst v0  }
0x4c: {  	v0 =	vld.idx.msk [tilespmem:v33+s2+$0x0], $0xffff;
	_ =	sdelay $0x3  }
0x4d: {  	v35 =	vld [tilespmem:$0x12D30]  }
0x4e: {  	[tilespmem:$0x13010] =	vst v0  }
0x4f: {  	v0 =	vld.idx.msk [tilespmem:v34+s2+$0x0], $0xffff;
	_ =	sdelay $0x3  }
0x50: {  	v36 =	vld [tilespmem:$0x12D40]  }
0x51: {  	[tilespmem:$0x13020] =	vst v0  }
0x52: {  	v0 =	vld.idx.msk [tilespmem:v35+s2+$0x0], $0xffff;
	_ =	sdelay $0x3  }
0x53: {  	v37 =	vld [tilespmem:$0x12D50]  }
0x54: {  	[tilespmem:$0x13030] =	vst v0  }
0x55: {  	v0 =	vld.idx.msk [tilespmem:v36+s2+$0x0], $0xffff;
	_ =	sdelay $0x3  }
0x56: {  	v38 =	vld [tilespmem:$0x12D60]  }
0x57: {  	[tilespmem:$0x13040] =	vst v0  }
0x58: {  	v0 =	vld.idx.msk [tilespmem:v37+s2+$0x0], $0xffff;
	_ =	sdelay $0x3  }
0x59: {  	v39 =	vld [tilespmem:$0x12D70]  }
0x5a: {  	[tilespmem:$0x13050] =	vst v0  }
0x5b: {  	v0 =	vld.idx.msk [tilespmem:v38+s2+$0x0], $0xffff;
	_ =	sdelay $0x3  }
0x5c: {  	v40 =	vld [tilespmem:$0x12D80]  }
0x5d: {  	[tilespmem:$0x13060] =	vst v0  }
0x5e: {  	v0 =	vld.idx.msk [tilespmem:v39+s2+$0x0], $0xffff;
	_ =	sdelay $0x3  }
0x5f: {  	v41 =	vld [tilespmem:$0x12D90]  }
0x60: {  	[tilespmem:$0x13070] =	vst v0  }
0x61: {  	v0 =	vld.idx.msk [tilespmem:v40+s2+$0x0], $0xffff;
	_ =	sdelay $0x3  }
0x62: {  	v42 =	vld [tilespmem:$0x12DA0]  }
0x63: {  	[tilespmem:$0x13080] =	vst v0  }
0x64: {  	v0 =	vld.idx.msk [tilespmem:v41+s2+$0x0], $0xffff;
	_ =	sdelay $0x3  }
0x65: {  	v43 =	vld [tilespmem:$0x12DB0]  }
0x66: {  	[tilespmem:$0x13090] =	vst v0  }
0x67: {  	v0 =	vld.idx.msk [tilespmem:v42+s2+$0x0], $0xffff;
	_ =	sdelay $0x3  }
0x68: {  	v44 =	vld [tilespmem:$0x12DC0]  }
0x69: {  	[tilespmem:$0x130A0] =	vst v0  }
0x6a: {  	v0 =	vld.idx.msk [tilespmem:v43+s2+$0x0], $0xffff;
	_ =	sdelay $0x3  }
0x6b: {  	v45 =	vld [tilespmem:$0x12DD0]  }
0x6c: {  	[tilespmem:$0x130B0] =	vst v0  }
0x6d: {  	v0 =	vld.idx.msk [tilespmem:v44+s2+$0x0], $0xffff;
	_ =	sdelay $0x3  }
0x6e: {  	v46 =	vld [tilespmem:$0x12DE0]  }
0x6f: {  	[tilespmem:$0x130C0] =	vst v0  }
0x70: {  	v0 =	vld.idx.msk [tilespmem:v45+s2+$0x0], $0xffff;
	_ =	sdelay $0x3  }
0x71: {  	v47 =	vld [tilespmem:$0x12DF0]  }
0x72: {  	[tilespmem:$0x130D0] =	vst v0  }
0x73: {  	v0 =	vld.idx.msk [tilespmem:v46+s2+$0x0], $0xffff;
	_ =	sdelay $0x3  }
0x74: {  	v48 =	vld [tilespmem:$0x12E00]  }
0x75: {  	[tilespmem:$0x130E0] =	vst v0  }
0x76: {  	v0 =	vld.idx.msk [tilespmem:v47+s2+$0x0], $0xffff;
	_ =	sdelay $0x3  }
0x77: {  	v49 =	vld [tilespmem:$0x12E10]  }
0x78: {  	[tilespmem:$0x130F0] =	vst v0  }
0x79: {  	v0 =	vld.idx.msk [tilespmem:v48+s2+$0x0], $0xffff;
	_ =	sdelay $0x3  }
0x7a: {  	v50 =	vld [tilespmem:$0x12E20]  }
0x7b: {  	[tilespmem:$0x13100] =	vst v0  }
0x7c: {  	v0 =	vld.idx.msk [tilespmem:v49+s2+$0x0], $0xffff;
	_ =	sdelay $0x3  }
0x7d: {  	v51 =	vld [tilespmem:$0x12E30]  }
0x7e: {  	[tilespmem:$0x13110] =	vst v0  }
0x7f: {  	v0 =	vld.idx.msk [tilespmem:v50+s2+$0x0], $0xffff;
	_ =	sdelay $0x3  }
0x80: {  	v52 =	vld [tilespmem:$0x12E40]  }
0x81: {  	[tilespmem:$0x13120] =	vst v0  }
0x82: {  	v0 =	vld.idx.msk [tilespmem:v51+s2+$0x0], $0xffff;
	_ =	sdelay $0x3  }
0x83: {  	v53 =	vld [tilespmem:$0x12E50]  }
0x84: {  	[tilespmem:$0x13130] =	vst v0  }
0x85: {  	v0 =	vld.idx.msk [tilespmem:v52+s2+$0x0], $0xffff;
	_ =	sdelay $0x3  }
0x86: {  	v54 =	vld [tilespmem:$0x12E60]  }
0x87: {  	[tilespmem:$0x13140] =	vst v0  }
0x88: {  	v0 =	vld.idx.msk [tilespmem:v53+s2+$0x0], $0xffff;
	_ =	sdelay $0x3  }
0x89: {  	v55 =	vld [tilespmem:$0x12E70]  }
0x8a: {  	[tilespmem:$0x13150] =	vst v0  }
0x8b: {  	v0 =	vld.idx.msk [tilespmem:v54+s2+$0x0], $0xffff;
	_ =	sdelay $0x3  }
0x8c: {  	v56 =	vld [tilespmem:$0x12E80]  }
0x8d: {  	[tilespmem:$0x13160] =	vst v0  }
0x8e: {  	v0 =	vld.idx.msk [tilespmem:v55+s2+$0x0], $0xffff;
	_ =	sdelay $0x3  }
0x8f: {  	v57 =	vld [tilespmem:$0x12E90]  }
0x90: {  	[tilespmem:$0x13170] =	vst v0  }
0x91: {  	v0 =	vld.idx.msk [tilespmem:v56+s2+$0x0], $0xffff;
	_ =	sdelay $0x3  }
0x92: {  	v58 =	vld [tilespmem:$0x12EA0]  }
0x93: {  	[tilespmem:$0x13180] =	vst v0  }
0x94: {  	v0 =	vld.idx.msk [tilespmem:v57+s2+$0x0], $0xffff;
	_ =	sdelay $0x3  }
0x95: {  	v59 =	vld [tilespmem:$0x12EB0]  }
0x96: {  	[tilespmem:$0x13190] =	vst v0  }
0x97: {  	v0 =	vld.idx.msk [tilespmem:v58+s2+$0x0], $0xffff;
	_ =	sdelay $0x3  }
0x98: {  	v60 =	vld [tilespmem:$0x12EC0]  }
0x99: {  	[tilespmem:$0x131A0] =	vst v0  }
0x9a: {  	v0 =	vld.idx.msk [tilespmem:v59+s2+$0x0], $0xffff;
	_ =	sdelay $0x3  }
0x9b: {  	v61 =	vld [tilespmem:$0x12ED0]  }
0x9c: {  	[tilespmem:$0x131B0] =	vst v0  }
0x9d: {  	v0 =	vld.idx.msk [tilespmem:v60+s2+$0x0], $0xffff;
	_ =	sdelay $0x3  }
0x9e: {  	v62 =	vld [tilespmem:$0x12EE0]  }
0x9f: {  	[tilespmem:$0x131C0] =	vst v0  }
0xa0: {  	v0 =	vld.idx.msk [tilespmem:v61+s2+$0x0], $0xffff;
	_ =	sdelay $0x3  }
0xa1: {  	v63 =	vld [tilespmem:$0x12EF0]  }
0xa2: {  	[tilespmem:$0x131D0] =	vst v0  }
0xa3: {  	v0 =	vld.idx.msk [tilespmem:v62+s2+$0x0], $0xffff;
	_ =	sdelay $0x4  }
0xa4: {  	[tilespmem:$0x131E0] =	vst v0  }
0xa5: {  	v0 =	vld.idx.msk [tilespmem:v63+s2+$0x0], $0xffff;
	_ =	sdelay $0x3  }
0xa6: {  	p0 =	sne.s32 s6, $0x1  }
.Ltmp0:
0xa7: {  	[tilespmem:$0x131F0] =	vst v0;
	(pc) =	sbr.rel @p0 .LBB2_1-.Ltmp0, $4  }
0xa8: {  	[hbm4b:s5+s2] =	stream.linear.scatter [tilespmem:s12], [sflag:$0x2], $0x300, $0x38;
	[tilespmem:$0x13200] =	vst v63  }
0xa9: {  	_ =	swait.ge [sflag:s10], $0x300  }
0xaa: {  	[sflag:s10] =	ssyncset.done $0x0  }
0xab: {  	s6 =	sadd.s32 $0xFFFFFFFF, s6;
	[sflag:s10] =	ssyncadd.s32 $0xFFFFFD00  }
0xac: {  	_ =	sfence.sel $0x180000  }
0xad: {  	[bflag:$0x0] =	sbarrier.arrive $0xFFFF  }
0xae: {  	p0 =	sne.s32 s0, $0x0;
	_ =	strace $0x90000047  }
0xaf: {  	s0 =	sadd.s32 @!p0 $0x100000, s1;
	[bflag:$0x2] =	sbarrier.arrive $0xFFFF  }
0xb0: {  	[sflag:s0] =	ssyncadd.tile.s32 @!p0 $0x1;
	_ =	shalt  }
.Lfunc_end2:
_tile_overlayer_lowered:
.L_overlay_start_2:
0xb1: {  	(tag) =	ssettag $0x2  }
0xb2: {  	s0 =	rddreg [dreg:$0x0];
	s2 =	stileid.u32  }
0xb3: {  	s1 =	rddreg [dreg:$0x1];
	p0 =	sne.s32 s2, $0x0  }
0xb4: {  	s3 =	rddreg [dreg:$0x2];
	[bflag:$0x3] =	sbarrier.arrive $0xFFFF;
	s2 =	simm.s32 @!p0 $0x1C02  }
0xb5: {  	[timem:s3], [sflag:s2] =	dma.local @!p0 [hbm:s0], s1  }
0xb6: {  	s0 =	simm.s32 @!p0 $0x2  }
0xb7: {  	_ =	swait.ge @!p0 [sflag:s0], s1  }
0xb8: {  	s1 =	ssub.s32 @!p0 $0x0, s1;
	[sflag:s0] =	ssyncset.done @!p0 $0x0  }
0xb9: {  	[sflag:s0] =	ssyncadd.s32 @!p0 s1  }
0xba: {  	[bflag:$0x3] =	sbarrier.arrive $0xFFFF  }
0xbb: {  	_ =	shalt  }

</sc_bundles>
